<compile_context>
chip_gen: v7x
topology: tpu7x:2x2x1
jax: 0.10.2.dev20260603
libtpu: 0.0.44.dev20260713+nightly
codegen_flags: <defaults>
</compile_context>

<pallas_src>
import functools

import jax
import jax.numpy as jnp
from jax import lax
from jax.experimental import pallas as pl
from jax.experimental.pallas import tpu as pltpu
from jax.experimental.pallas import tpu_sc as plsc

D = 128
NW = 32
GB = 4


def _build(B, H):
    Hp = (H + 7) // 8 * 8
    rows_per_w = B // NW
    T = rows_per_w // GB
    K = T // 2

    mesh = plsc.VectorSubcoreMesh(core_axis_name="c", subcore_axis_name="s")

    @functools.partial(
        pl.kernel,
        mesh=mesh,
        out_type=jax.ShapeDtypeStruct((B, H, D), jnp.float32),
        scratch_types=[
            pltpu.VMEM((rows_per_w * Hp,), jnp.int32),
            pltpu.VMEM((2, GB, Hp, D), jnp.float32),
            pltpu.SemaphoreType.DMA,
            pltpu.SemaphoreType.DMA,
            pltpu.SemaphoreType.DMA,
            pltpu.SemaphoreType.DMA,
        ],
    )
    def gather_kernel(idx_hbm, table_hbm, out_hbm, idx_v, rows_v,
                      sg0, sg1, so0, so1):
        wid = lax.axis_index("c") * (NW // 2) + lax.axis_index("s")
        base = wid * rows_per_w
        sg = (sg0, sg1)
        so = (so0, so1)

        pltpu.sync_copy(idx_hbm.at[pl.ds(base * Hp, rows_per_w * Hp)], idx_v)

        def fire_g(t, b):
            return [
                pltpu.async_copy(
                    table_hbm.at[idx_v.at[pl.ds((t * GB + j) * Hp, Hp)]],
                    rows_v.at[b, j], sg[b])
                for j in range(GB)
            ]

        def fire_o(t, b):
            pltpu.async_copy(
                rows_v.at[b, :, pl.ds(0, H)],
                out_hbm.at[pl.ds(base + t * GB, GB)], so[b])

        def drain_o(b):
            pltpu.make_async_copy(
                rows_v.at[b, :, pl.ds(0, H)],
                out_hbm.at[pl.ds(base, GB)], so[b]).wait()

        def pair(t0, first):
            if not first:
                drain_o(0)
            h0 = fire_g(t0, 0)
            if not first:
                drain_o(1)
            h1 = fire_g(t0 + 1, 1)
            for h in h0:
                h.wait()
            fire_o(t0, 0)
            for h in h1:
                h.wait()
            fire_o(t0 + 1, 1)

        pair(0, True)

        def body(k, carry):
            pair(k * 2, False)
            return carry

        lax.fori_loop(1, K, body, 0)
        drain_o(0)
        drain_o(1)

    return gather_kernel


def kernel(chars, table):
    B, H = chars.shape
    Hp = (H + 7) // 8 * 8
    pad = (jnp.arange(B * (Hp - H), dtype=jnp.int32) * 131) % table.shape[0]
    idx = jnp.concatenate(
        [chars.astype(jnp.int32), pad.reshape(B, Hp - H)], axis=1).reshape(-1)
    return _build(B, H)(idx, table)

# --- scband reference (transcript-rebuilt; emitter-appended) ---
"""Pipeline reference for scband-text2-vec-72773925863677 (READ-ONLY COPY).

The authoritative reference and input builder live on the scoring server;
editing this copy changes nothing except your own understanding.
"""

import jax, jax.numpy as jnp
import numpy as np

VOCAB = 1000000
EMBED_DIM = 128
BATCH = 16384
HIST = 50

def setup_inputs(seed: int = 0) -> dict:
    key = jax.random.key(seed)
    k_tab, k_idx = jax.random.split(key)
    # FastText wv table (learned params), modeled as a dense embedding table
    table = jax.random.normal(k_tab, (VOCAB, EMBED_DIM), dtype=jnp.float32) * 0.02
    # token/char ids to look up
    chars = jax.random.randint(k_idx, (BATCH, HIST), 0, VOCAB, dtype=jnp.int64)
    return {"chars": chars, "table": table}

def reference(chars, table):
    # Faithful translation of forward: self.fast_text.wv[chars] is a row gather
    # from the word-vector table, returned as a float tensor.
    return jnp.take(table, chars, axis=0)

if __name__ == "__main__":
    import jax
    _d = setup_inputs()
    print(jax.jit(kernel)(*tuple(_d.values())))

</pallas_src>

<mosaic_0001>
#map = affine_map<(d0, d1) -> (0)>
#map1 = affine_map<(d0, d1) -> (0, 0)>
#map2 = affine_map<(d0, d1) -> (0, 0, 0)>
module attributes {stable_mosaic.version = 14 : i64} {
  func.func @gather_kernel(%arg0: i32, %arg1: i32, %arg2: memref<917504xi32, #tpu.memory_space<hbm>>, %arg3: memref<1000000x128xf32, #tpu.memory_space<hbm>>, %arg4: memref<16384x50x128xf32, #tpu.memory_space<hbm>>, %arg5: memref<28672xi32, #tpu.memory_space<vmem>>, %arg6: memref<2x4x56x128xf32, #tpu.memory_space<vmem>>, %arg7: memref<!tpu.dma_semaphore, #tpu.memory_space<semaphore_mem>>, %arg8: memref<!tpu.dma_semaphore, #tpu.memory_space<semaphore_mem>>, %arg9: memref<!tpu.dma_semaphore, #tpu.memory_space<semaphore_mem>>, %arg10: memref<!tpu.dma_semaphore, #tpu.memory_space<semaphore_mem>>) attributes {dimension_semantics = [#tpu.dimension_semantics<core_parallel>, #tpu.dimension_semantics<subcore_parallel>], iteration_bounds = array<i64: 2, 16>, scalar_prefetch = 0 : i64, scratch_operands = 6 : i64, tpu.core_type = #tpu.core_type<sc_vector_subcore>, window_params = [{transform_indices = #map}, {transform_indices = #map1}, {transform_indices = #map2}]} {
    %mul3A = arith.constant 16 : i32
    %mul3A_0 = arith.muli %arg0, %mul3A : i32
    %add3A = arith.addi %mul3A_0, %arg1 : i32
    %mul3A_1 = arith.constant 512 : i32
    %mul3A_2 = arith.muli %add3A, %mul3A_1 : i32
    %mul3A_3 = arith.constant 56 : i32
    %mul3A_4 = arith.muli %mul3A_2, %mul3A_3 : i32
    "tpu.region"() ({
      %run_scoped3A = tpu.sem_alloc : memref<!tpu.dma_semaphore, #tpu.memory_space<semaphore_mem>>
      %dma_start3A_256 = tpu.memref_slice %arg2[%mul3A_4] : memref<917504xi32, #tpu.memory_space<hbm>> -> memref<28672xi32, #tpu.memory_space<hbm>>
      %dma_start3A_257 = tpu.memref_slice %arg2[%mul3A_4] : memref<917504xi32, #tpu.memory_space<hbm>> -> memref<28672xi32, #tpu.memory_space<hbm>>
      tpu.enqueue_dma source(%dma_start3A_257 : memref<28672xi32, #tpu.memory_space<hbm>>) target(%arg5 : memref<28672xi32, #tpu.memory_space<vmem>>) target_semaphore(%run_scoped3A : memref<!tpu.dma_semaphore, #tpu.memory_space<semaphore_mem>>)
      %dma_wait3A_258 = tpu.memref_slice %arg2[%mul3A_4] : memref<917504xi32, #tpu.memory_space<hbm>> -> memref<28672xi32, #tpu.memory_space<hbm>>
      %dma_wait3A_259 = tpu.memref_slice %arg2[%mul3A_4] : memref<917504xi32, #tpu.memory_space<hbm>> -> memref<28672xi32, #tpu.memory_space<hbm>>
      tpu.wait_dma2 semaphore(%run_scoped3A : memref<!tpu.dma_semaphore, #tpu.memory_space<semaphore_mem>>) src(%dma_wait3A_259 : memref<28672xi32, #tpu.memory_space<hbm>>) dst(%arg5 : memref<28672xi32, #tpu.memory_space<vmem>>)
      tpu.yield
    }) : () -> ()
    %dma_start3A = arith.constant 0 : i32
    %dma_start3A_5 = arith.constant 0 : i32
    %dma_start3A_6 = arith.constant 0 : i32
    %dma_start3A_7 = arith.constant 0 : i32
    %dma_start3A_8 = tpu.memref_slice %arg6[%dma_start3A, %dma_start3A_5, %dma_start3A_6, %dma_start3A_7] : memref<2x4x56x128xf32, #tpu.memory_space<vmem>> -> memref<1x1x56x128xf32, #tpu.memory_space<vmem>>
    %dma_start3A_9 = tpu.memref_squeeze %dma_start3A_8 : memref<1x1x56x128xf32, #tpu.memory_space<vmem>> -> memref<56x128xf32, #tpu.memory_space<vmem>>
    %dma_start3A_10 = arith.constant 0 : i32
    %dma_start3A_11 = tpu.memref_slice %arg5[%dma_start3A_10] : memref<28672xi32, #tpu.memory_space<vmem>> -> memref<56xi32, #tpu.memory_space<vmem>>
    %dma_start3A_12 = arith.constant 0 : i32
    %dma_start3A_13 = arith.constant 0 : i32
    %dma_start3A_14 = tpu.memref_slice %arg3[%dma_start3A_12, %dma_start3A_13] : memref<1000000x128xf32, #tpu.memory_space<hbm>> -> memref<1000000x128xf32, #tpu.memory_space<hbm>>
    tpu.enqueue_indirect_dma source(%dma_start3A_14 : memref<1000000x128xf32, #tpu.memory_space<hbm>>) target(%dma_start3A_9 : memref<56x128xf32, #tpu.memory_space<vmem>>) offsets(%dma_start3A_11 : memref<56xi32, #tpu.memory_space<vmem>>) semaphore(%arg7 : memref<!tpu.dma_semaphore, #tpu.memory_space<semaphore_mem>>)
    %dma_start3A_15 = arith.constant 0 : i32
    %dma_start3A_16 = arith.constant 1 : i32
    %dma_start3A_17 = arith.constant 0 : i32
    %dma_start3A_18 = arith.constant 0 : i32
    %dma_start3A_19 = tpu.memref_slice %arg6[%dma_start3A_15, %dma_start3A_16, %dma_start3A_17, %dma_start3A_18] : memref<2x4x56x128xf32, #tpu.memory_space<vmem>> -> memref<1x1x56x128xf32, #tpu.memory_space<vmem>>
    %dma_start3A_20 = tpu.memref_squeeze %dma_start3A_19 : memref<1x1x56x128xf32, #tpu.memory_space<vmem>> -> memref<56x128xf32, #tpu.memory_space<vmem>>
    %dma_start3A_21 = arith.constant 56 : i32
    %dma_start3A_22 = tpu.memref_slice %arg5[%dma_start3A_21] : memref<28672xi32, #tpu.memory_space<vmem>> -> memref<56xi32, #tpu.memory_space<vmem>>
    %dma_start3A_23 = arith.constant 0 : i32
    %dma_start3A_24 = arith.constant 0 : i32
    %dma_start3A_25 = tpu.memref_slice %arg3[%dma_start3A_23, %dma_start3A_24] : memref<1000000x128xf32, #tpu.memory_space<hbm>> -> memref<1000000x128xf32, #tpu.memory_space<hbm>>
    tpu.enqueue_indirect_dma source(%dma_start3A_25 : memref<1000000x128xf32, #tpu.memory_space<hbm>>) target(%dma_start3A_20 : memref<56x128xf32, #tpu.memory_space<vmem>>) offsets(%dma_start3A_22 : memref<56xi32, #tpu.memory_space<vmem>>) semaphore(%arg7 : memref<!tpu.dma_semaphore, #tpu.memory_space<semaphore_mem>>)
    %dma_start3A_26 = arith.constant 0 : i32
    %dma_start3A_27 = arith.constant 2 : i32
    %dma_start3A_28 = arith.constant 0 : i32
    %dma_start3A_29 = arith.constant 0 : i32
    %dma_start3A_30 = tpu.memref_slice %arg6[%dma_start3A_26, %dma_start3A_27, %dma_start3A_28, %dma_start3A_29] : memref<2x4x56x128xf32, #tpu.memory_space<vmem>> -> memref<1x1x56x128xf32, #tpu.memory_space<vmem>>
    %dma_start3A_31 = tpu.memref_squeeze %dma_start3A_30 : memref<1x1x56x128xf32, #tpu.memory_space<vmem>> -> memref<56x128xf32, #tpu.memory_space<vmem>>
    %dma_start3A_32 = arith.constant 112 : i32
    %dma_start3A_33 = tpu.memref_slice %arg5[%dma_start3A_32] : memref<28672xi32, #tpu.memory_space<vmem>> -> memref<56xi32, #tpu.memory_space<vmem>>
    %dma_start3A_34 = arith.constant 0 : i32
    %dma_start3A_35 = arith.constant 0 : i32
    %dma_start3A_36 = tpu.memref_slice %arg3[%dma_start3A_34, %dma_start3A_35] : memref<1000000x128xf32, #tpu.memory_space<hbm>> -> memref<1000000x128xf32, #tpu.memory_space<hbm>>
    tpu.enqueue_indirect_dma source(%dma_start3A_36 : memref<1000000x128xf32, #tpu.memory_space<hbm>>) target(%dma_start3A_31 : memref<56x128xf32, #tpu.memory_space<vmem>>) offsets(%dma_start3A_33 : memref<56xi32, #tpu.memory_space<vmem>>) semaphore(%arg7 : memref<!tpu.dma_semaphore, #tpu.memory_space<semaphore_mem>>)
    %dma_start3A_37 = arith.constant 0 : i32
    %dma_start3A_38 = arith.constant 3 : i32
    %dma_start3A_39 = arith.constant 0 : i32
    %dma_start3A_40 = arith.constant 0 : i32
    %dma_start3A_41 = tpu.memref_slice %arg6[%dma_start3A_37, %dma_start3A_38, %dma_start3A_39, %dma_start3A_40] : memref<2x4x56x128xf32, #tpu.memory_space<vmem>> -> memref<1x1x56x128xf32, #tpu.memory_space<vmem>>
    %dma_start3A_42 = tpu.memref_squeeze %dma_start3A_41 : memref<1x1x56x128xf32, #tpu.memory_space<vmem>> -> memref<56x128xf32, #tpu.memory_space<vmem>>
    %dma_start3A_43 = arith.constant 168 : i32
    %dma_start3A_44 = tpu.memref_slice %arg5[%dma_start3A_43] : memref<28672xi32, #tpu.memory_space<vmem>> -> memref<56xi32, #tpu.memory_space<vmem>>
    %dma_start3A_45 = arith.constant 0 : i32
    %dma_start3A_46 = arith.constant 0 : i32
    %dma_start3A_47 = tpu.memref_slice %arg3[%dma_start3A_45, %dma_start3A_46] : memref<1000000x128xf32, #tpu.memory_space<hbm>> -> memref<1000000x128xf32, #tpu.memory_space<hbm>>
    tpu.enqueue_indirect_dma source(%dma_start3A_47 : memref<1000000x128xf32, #tpu.memory_space<hbm>>) target(%dma_start3A_42 : memref<56x128xf32, #tpu.memory_space<vmem>>) offsets(%dma_start3A_44 : memref<56xi32, #tpu.memory_space<vmem>>) semaphore(%arg7 : memref<!tpu.dma_semaphore, #tpu.memory_space<semaphore_mem>>)
    %dma_start3A_48 = arith.constant 1 : i32
    %dma_start3A_49 = arith.constant 0 : i32
    %dma_start3A_50 = arith.constant 0 : i32
    %dma_start3A_51 = arith.constant 0 : i32
    %dma_start3A_52 = tpu.memref_slice %arg6[%dma_start3A_48, %dma_start3A_49, %dma_start3A_50, %dma_start3A_51] : memref<2x4x56x128xf32, #tpu.memory_space<vmem>> -> memref<1x1x56x128xf32, #tpu.memory_space<vmem>>
    %dma_start3A_53 = tpu.memref_squeeze %dma_start3A_52 : memref<1x1x56x128xf32, #tpu.memory_space<vmem>> -> memref<56x128xf32, #tpu.memory_space<vmem>>
    %dma_start3A_54 = arith.constant 224 : i32
    %dma_start3A_55 = tpu.memref_slice %arg5[%dma_start3A_54] : memref<28672xi32, #tpu.memory_space<vmem>> -> memref<56xi32, #tpu.memory_space<vmem>>
    %dma_start3A_56 = arith.constant 0 : i32
    %dma_start3A_57 = arith.constant 0 : i32
    %dma_start3A_58 = tpu.memref_slice %arg3[%dma_start3A_56, %dma_start3A_57] : memref<1000000x128xf32, #tpu.memory_space<hbm>> -> memref<1000000x128xf32, #tpu.memory_space<hbm>>
    tpu.enqueue_indirect_dma source(%dma_start3A_58 : memref<1000000x128xf32, #tpu.memory_space<hbm>>) target(%dma_start3A_53 : memref<56x128xf32, #tpu.memory_space<vmem>>) offsets(%dma_start3A_55 : memref<56xi32, #tpu.memory_space<vmem>>) semaphore(%arg8 : memref<!tpu.dma_semaphore, #tpu.memory_space<semaphore_mem>>)
    %dma_start3A_59 = arith.constant 1 : i32
    %dma_start3A_60 = arith.constant 1 : i32
    %dma_start3A_61 = arith.constant 0 : i32
    %dma_start3A_62 = arith.constant 0 : i32
    %dma_start3A_63 = tpu.memref_slice %arg6[%dma_start3A_59, %dma_start3A_60, %dma_start3A_61, %dma_start3A_62] : memref<2x4x56x128xf32, #tpu.memory_space<vmem>> -> memref<1x1x56x128xf32, #tpu.memory_space<vmem>>
    %dma_start3A_64 = tpu.memref_squeeze %dma_start3A_63 : memref<1x1x56x128xf32, #tpu.memory_space<vmem>> -> memref<56x128xf32, #tpu.memory_space<vmem>>
    %dma_start3A_65 = arith.constant 280 : i32
    %dma_start3A_66 = tpu.memref_slice %arg5[%dma_start3A_65] : memref<28672xi32, #tpu.memory_space<vmem>> -> memref<56xi32, #tpu.memory_space<vmem>>
    %dma_start3A_67 = arith.constant 0 : i32
    %dma_start3A_68 = arith.constant 0 : i32
    %dma_start3A_69 = tpu.memref_slice %arg3[%dma_start3A_67, %dma_start3A_68] : memref<1000000x128xf32, #tpu.memory_space<hbm>> -> memref<1000000x128xf32, #tpu.memory_space<hbm>>
    tpu.enqueue_indirect_dma source(%dma_start3A_69 : memref<1000000x128xf32, #tpu.memory_space<hbm>>) target(%dma_start3A_64 : memref<56x128xf32, #tpu.memory_space<vmem>>) offsets(%dma_start3A_66 : memref<56xi32, #tpu.memory_space<vmem>>) semaphore(%arg8 : memref<!tpu.dma_semaphore, #tpu.memory_space<semaphore_mem>>)
    %dma_start3A_70 = arith.constant 1 : i32
    %dma_start3A_71 = arith.constant 2 : i32
    %dma_start3A_72 = arith.constant 0 : i32
    %dma_start3A_73 = arith.constant 0 : i32
    %dma_start3A_74 = tpu.memref_slice %arg6[%dma_start3A_70, %dma_start3A_71, %dma_start3A_72, %dma_start3A_73] : memref<2x4x56x128xf32, #tpu.memory_space<vmem>> -> memref<1x1x56x128xf32, #tpu.memory_space<vmem>>
    %dma_start3A_75 = tpu.memref_squeeze %dma_start3A_74 : memref<1x1x56x128xf32, #tpu.memory_space<vmem>> -> memref<56x128xf32, #tpu.memory_space<vmem>>
    %dma_start3A_76 = arith.constant 336 : i32
    %dma_start3A_77 = tpu.memref_slice %arg5[%dma_start3A_76] : memref<28672xi32, #tpu.memory_space<vmem>> -> memref<56xi32, #tpu.memory_space<vmem>>
    %dma_start3A_78 = arith.constant 0 : i32
    %dma_start3A_79 = arith.constant 0 : i32
    %dma_start3A_80 = tpu.memref_slice %arg3[%dma_start3A_78, %dma_start3A_79] : memref<1000000x128xf32, #tpu.memory_space<hbm>> -> memref<1000000x128xf32, #tpu.memory_space<hbm>>
    tpu.enqueue_indirect_dma source(%dma_start3A_80 : memref<1000000x128xf32, #tpu.memory_space<hbm>>) target(%dma_start3A_75 : memref<56x128xf32, #tpu.memory_space<vmem>>) offsets(%dma_start3A_77 : memref<56xi32, #tpu.memory_space<vmem>>) semaphore(%arg8 : memref<!tpu.dma_semaphore, #tpu.memory_space<semaphore_mem>>)
    %dma_start3A_81 = arith.constant 1 : i32
    %dma_start3A_82 = arith.constant 3 : i32
    %dma_start3A_83 = arith.constant 0 : i32
    %dma_start3A_84 = arith.constant 0 : i32
    %dma_start3A_85 = tpu.memref_slice %arg6[%dma_start3A_81, %dma_start3A_82, %dma_start3A_83, %dma_start3A_84] : memref<2x4x56x128xf32, #tpu.memory_space<vmem>> -> memref<1x1x56x128xf32, #tpu.memory_space<vmem>>
    %dma_start3A_86 = tpu.memref_squeeze %dma_start3A_85 : memref<1x1x56x128xf32, #tpu.memory_space<vmem>> -> memref<56x128xf32, #tpu.memory_space<vmem>>
    %dma_start3A_87 = arith.constant 392 : i32
    %dma_start3A_88 = tpu.memref_slice %arg5[%dma_start3A_87] : memref<28672xi32, #tpu.memory_space<vmem>> -> memref<56xi32, #tpu.memory_space<vmem>>
    %dma_start3A_89 = arith.constant 0 : i32
    %dma_start3A_90 = arith.constant 0 : i32
    %dma_start3A_91 = tpu.memref_slice %arg3[%dma_start3A_89, %dma_start3A_90] : memref<1000000x128xf32, #tpu.memory_space<hbm>> -> memref<1000000x128xf32, #tpu.memory_space<hbm>>
    tpu.enqueue_indirect_dma source(%dma_start3A_91 : memref<1000000x128xf32, #tpu.memory_space<hbm>>) target(%dma_start3A_86 : memref<56x128xf32, #tpu.memory_space<vmem>>) offsets(%dma_start3A_88 : memref<56xi32, #tpu.memory_space<vmem>>) semaphore(%arg8 : memref<!tpu.dma_semaphore, #tpu.memory_space<semaphore_mem>>)
    %dma_wait3A = arith.constant 0 : i32
    %dma_wait3A_92 = arith.constant 0 : i32
    %dma_wait3A_93 = arith.constant 0 : i32
    %dma_wait3A_94 = arith.constant 0 : i32
    %dma_wait3A_95 = tpu.memref_slice %arg6[%dma_wait3A, %dma_wait3A_92, %dma_wait3A_93, %dma_wait3A_94] : memref<2x4x56x128xf32, #tpu.memory_space<vmem>> -> memref<1x1x56x128xf32, #tpu.memory_space<vmem>>
    %dma_wait3A_96 = tpu.memref_squeeze %dma_wait3A_95 : memref<1x1x56x128xf32, #tpu.memory_space<vmem>> -> memref<56x128xf32, #tpu.memory_space<vmem>>
    %dma_wait3A_97 = arith.constant 0 : i32
    %dma_wait3A_98 = tpu.memref_slice %arg5[%dma_wait3A_97] : memref<28672xi32, #tpu.memory_space<vmem>> -> memref<56xi32, #tpu.memory_space<vmem>>
    %dma_wait3A_99 = arith.constant 0 : i32
    %dma_wait3A_100 = arith.constant 0 : i32
    %dma_wait3A_101 = tpu.memref_slice %arg3[%dma_wait3A_99, %dma_wait3A_100] : memref<1000000x128xf32, #tpu.memory_space<hbm>> -> memref<1000000x128xf32, #tpu.memory_space<hbm>>
    tpu.wait_indirect_dma semaphore(%arg7 : memref<!tpu.dma_semaphore, #tpu.memory_space<semaphore_mem>>) src(%dma_wait3A_101 : memref<1000000x128xf32, #tpu.memory_space<hbm>>) dst(%dma_wait3A_96 : memref<56x128xf32, #tpu.memory_space<vmem>>)
    %dma_wait3A_102 = arith.constant 0 : i32
    %dma_wait3A_103 = arith.constant 1 : i32
    %dma_wait3A_104 = arith.constant 0 : i32
    %dma_wait3A_105 = arith.constant 0 : i32
    %dma_wait3A_106 = tpu.memref_slice %arg6[%dma_wait3A_102, %dma_wait3A_103, %dma_wait3A_104, %dma_wait3A_105] : memref<2x4x56x128xf32, #tpu.memory_space<vmem>> -> memref<1x1x56x128xf32, #tpu.memory_space<vmem>>
    %dma_wait3A_107 = tpu.memref_squeeze %dma_wait3A_106 : memref<1x1x56x128xf32, #tpu.memory_space<vmem>> -> memref<56x128xf32, #tpu.memory_space<vmem>>
    %dma_wait3A_108 = arith.constant 56 : i32
    %dma_wait3A_109 = tpu.memref_slice %arg5[%dma_wait3A_108] : memref<28672xi32, #tpu.memory_space<vmem>> -> memref<56xi32, #tpu.memory_space<vmem>>
    %dma_wait3A_110 = arith.constant 0 : i32
    %dma_wait3A_111 = arith.constant 0 : i32
    %dma_wait3A_112 = tpu.memref_slice %arg3[%dma_wait3A_110, %dma_wait3A_111] : memref<1000000x128xf32, #tpu.memory_space<hbm>> -> memref<1000000x128xf32, #tpu.memory_space<hbm>>
    tpu.wait_indirect_dma semaphore(%arg7 : memref<!tpu.dma_semaphore, #tpu.memory_space<semaphore_mem>>) src(%dma_wait3A_112 : memref<1000000x128xf32, #tpu.memory_space<hbm>>) dst(%dma_wait3A_107 : memref<56x128xf32, #tpu.memory_space<vmem>>)
    %dma_wait3A_113 = arith.constant 0 : i32
    %dma_wait3A_114 = arith.constant 2 : i32
    %dma_wait3A_115 = arith.constant 0 : i32
    %dma_wait3A_116 = arith.constant 0 : i32
    %dma_wait3A_117 = tpu.memref_slice %arg6[%dma_wait3A_113, %dma_wait3A_114, %dma_wait3A_115, %dma_wait3A_116] : memref<2x4x56x128xf32, #tpu.memory_space<vmem>> -> memref<1x1x56x128xf32, #tpu.memory_space<vmem>>
    %dma_wait3A_118 = tpu.memref_squeeze %dma_wait3A_117 : memref<1x1x56x128xf32, #tpu.memory_space<vmem>> -> memref<56x128xf32, #tpu.memory_space<vmem>>
    %dma_wait3A_119 = arith.constant 112 : i32
    %dma_wait3A_120 = tpu.memref_slice %arg5[%dma_wait3A_119] : memref<28672xi32, #tpu.memory_space<vmem>> -> memref<56xi32, #tpu.memory_space<vmem>>
    %dma_wait3A_121 = arith.constant 0 : i32
    %dma_wait3A_122 = arith.constant 0 : i32
    %dma_wait3A_123 = tpu.memref_slice %arg3[%dma_wait3A_121, %dma_wait3A_122] : memref<1000000x128xf32, #tpu.memory_space<hbm>> -> memref<1000000x128xf32, #tpu.memory_space<hbm>>
    tpu.wait_indirect_dma semaphore(%arg7 : memref<!tpu.dma_semaphore, #tpu.memory_space<semaphore_mem>>) src(%dma_wait3A_123 : memref<1000000x128xf32, #tpu.memory_space<hbm>>) dst(%dma_wait3A_118 : memref<56x128xf32, #tpu.memory_space<vmem>>)
    %dma_wait3A_124 = arith.constant 0 : i32
    %dma_wait3A_125 = arith.constant 3 : i32
    %dma_wait3A_126 = arith.constant 0 : i32
    %dma_wait3A_127 = arith.constant 0 : i32
    %dma_wait3A_128 = tpu.memref_slice %arg6[%dma_wait3A_124, %dma_wait3A_125, %dma_wait3A_126, %dma_wait3A_127] : memref<2x4x56x128xf32, #tpu.memory_space<vmem>> -> memref<1x1x56x128xf32, #tpu.memory_space<vmem>>
    %dma_wait3A_129 = tpu.memref_squeeze %dma_wait3A_128 : memref<1x1x56x128xf32, #tpu.memory_space<vmem>> -> memref<56x128xf32, #tpu.memory_space<vmem>>
    %dma_wait3A_130 = arith.constant 168 : i32
    %dma_wait3A_131 = tpu.memref_slice %arg5[%dma_wait3A_130] : memref<28672xi32, #tpu.memory_space<vmem>> -> memref<56xi32, #tpu.memory_space<vmem>>
    %dma_wait3A_132 = arith.constant 0 : i32
    %dma_wait3A_133 = arith.constant 0 : i32
    %dma_wait3A_134 = tpu.memref_slice %arg3[%dma_wait3A_132, %dma_wait3A_133] : memref<1000000x128xf32, #tpu.memory_space<hbm>> -> memref<1000000x128xf32, #tpu.memory_space<hbm>>
    tpu.wait_indirect_dma semaphore(%arg7 : memref<!tpu.dma_semaphore, #tpu.memory_space<semaphore_mem>>) src(%dma_wait3A_134 : memref<1000000x128xf32, #tpu.memory_space<hbm>>) dst(%dma_wait3A_129 : memref<56x128xf32, #tpu.memory_space<vmem>>)
    %add3A_135 = arith.constant 0 : i32
    %add3A_136 = arith.addi %mul3A_2, %add3A_135 : i32
    %dma_start3A_137 = arith.constant 0 : i32
    %dma_start3A_138 = arith.constant 0 : i32
    %dma_start3A_139 = arith.constant 0 : i32
    %dma_start3A_140 = arith.constant 0 : i32
    %dma_start3A_141 = tpu.memref_slice %arg6[%dma_start3A_137, %dma_start3A_138, %dma_start3A_139, %dma_start3A_140] : memref<2x4x56x128xf32, #tpu.memory_space<vmem>> -> memref<1x4x50x128xf32, #tpu.memory_space<vmem>>
    %dma_start3A_142 = tpu.memref_squeeze %dma_start3A_141 : memref<1x4x50x128xf32, #tpu.memory_space<vmem>> -> memref<4x50x128xf32, #tpu.memory_space<vmem>>
    %dma_start3A_143 = arith.constant 0 : i32
    %dma_start3A_144 = arith.constant 0 : i32
    %dma_start3A_145 = tpu.memref_slice %arg4[%add3A_136, %dma_start3A_143, %dma_start3A_144] : memref<16384x50x128xf32, #tpu.memory_space<hbm>> -> memref<4x50x128xf32, #tpu.memory_space<hbm>>
    %dma_start3A_146 = arith.constant 0 : i32
    %dma_start3A_147 = arith.constant 0 : i32
    %dma_start3A_148 = tpu.memref_slice %arg4[%add3A_136, %dma_start3A_146, %dma_start3A_147] : memref<16384x50x128xf32, #tpu.memory_space<hbm>> -> memref<4x50x128xf32, #tpu.memory_space<hbm>>
    %dma_start3A_149 = arith.constant 0 : i32
    %dma_start3A_150 = arith.constant 0 : i32
    %dma_start3A_151 = arith.constant 0 : i32
    %dma_start3A_152 = tpu.memref_slice %arg6[%dma_start3A_137, %dma_start3A_149, %dma_start3A_150, %dma_start3A_151] : memref<2x4x56x128xf32, #tpu.memory_space<vmem>> -> memref<1x4x50x128xf32, #tpu.memory_space<vmem>>
    %dma_start3A_153 = tpu.memref_squeeze %dma_start3A_152 : memref<1x4x50x128xf32, #tpu.memory_space<vmem>> -> memref<4x50x128xf32, #tpu.memory_space<vmem>>
    tpu.enqueue_dma source(%dma_start3A_153 : memref<4x50x128xf32, #tpu.memory_space<vmem>>) target(%dma_start3A_148 : memref<4x50x128xf32, #tpu.memory_space<hbm>>) target_semaphore(%arg9 : memref<!tpu.dma_semaphore, #tpu.memory_space<semaphore_mem>>)
    %dma_wait3A_154 = arith.constant 1 : i32
    %dma_wait3A_155 = arith.constant 0 : i32
    %dma_wait3A_156 = arith.constant 0 : i32
    %dma_wait3A_157 = arith.constant 0 : i32
    %dma_wait3A_158 = tpu.memref_slice %arg6[%dma_wait3A_154, %dma_wait3A_155, %dma_wait3A_156, %dma_wait3A_157] : memref<2x4x56x128xf32, #tpu.memory_space<vmem>> -> memref<1x1x56x128xf32, #tpu.memory_space<vmem>>
    %dma_wait3A_159 = tpu.memref_squeeze %dma_wait3A_158 : memref<1x1x56x128xf32, #tpu.memory_space<vmem>> -> memref<56x128xf32, #tpu.memory_space<vmem>>
    %dma_wait3A_160 = arith.constant 224 : i32
    %dma_wait3A_161 = tpu.memref_slice %arg5[%dma_wait3A_160] : memref<28672xi32, #tpu.memory_space<vmem>> -> memref<56xi32, #tpu.memory_space<vmem>>
    %dma_wait3A_162 = arith.constant 0 : i32
    %dma_wait3A_163 = arith.constant 0 : i32
    %dma_wait3A_164 = tpu.memref_slice %arg3[%dma_wait3A_162, %dma_wait3A_163] : memref<1000000x128xf32, #tpu.memory_space<hbm>> -> memref<1000000x128xf32, #tpu.memory_space<hbm>>
    tpu.wait_indirect_dma semaphore(%arg8 : memref<!tpu.dma_semaphore, #tpu.memory_space<semaphore_mem>>) src(%dma_wait3A_164 : memref<1000000x128xf32, #tpu.memory_space<hbm>>) dst(%dma_wait3A_159 : memref<56x128xf32, #tpu.memory_space<vmem>>)
    %dma_wait3A_165 = arith.constant 1 : i32
    %dma_wait3A_166 = arith.constant 1 : i32
    %dma_wait3A_167 = arith.constant 0 : i32
    %dma_wait3A_168 = arith.constant 0 : i32
    %dma_wait3A_169 = tpu.memref_slice %arg6[%dma_wait3A_165, %dma_wait3A_166, %dma_wait3A_167, %dma_wait3A_168] : memref<2x4x56x128xf32, #tpu.memory_space<vmem>> -> memref<1x1x56x128xf32, #tpu.memory_space<vmem>>
    %dma_wait3A_170 = tpu.memref_squeeze %dma_wait3A_169 : memref<1x1x56x128xf32, #tpu.memory_space<vmem>> -> memref<56x128xf32, #tpu.memory_space<vmem>>
    %dma_wait3A_171 = arith.constant 280 : i32
    %dma_wait3A_172 = tpu.memref_slice %arg5[%dma_wait3A_171] : memref<28672xi32, #tpu.memory_space<vmem>> -> memref<56xi32, #tpu.memory_space<vmem>>
    %dma_wait3A_173 = arith.constant 0 : i32
    %dma_wait3A_174 = arith.constant 0 : i32
    %dma_wait3A_175 = tpu.memref_slice %arg3[%dma_wait3A_173, %dma_wait3A_174] : memref<1000000x128xf32, #tpu.memory_space<hbm>> -> memref<1000000x128xf32, #tpu.memory_space<hbm>>
    tpu.wait_indirect_dma semaphore(%arg8 : memref<!tpu.dma_semaphore, #tpu.memory_space<semaphore_mem>>) src(%dma_wait3A_175 : memref<1000000x128xf32, #tpu.memory_space<hbm>>) dst(%dma_wait3A_170 : memref<56x128xf32, #tpu.memory_space<vmem>>)
    %dma_wait3A_176 = arith.constant 1 : i32
    %dma_wait3A_177 = arith.constant 2 : i32
    %dma_wait3A_178 = arith.constant 0 : i32
    %dma_wait3A_179 = arith.constant 0 : i32
    %dma_wait3A_180 = tpu.memref_slice %arg6[%dma_wait3A_176, %dma_wait3A_177, %dma_wait3A_178, %dma_wait3A_179] : memref<2x4x56x128xf32, #tpu.memory_space<vmem>> -> memref<1x1x56x128xf32, #tpu.memory_space<vmem>>
    %dma_wait3A_181 = tpu.memref_squeeze %dma_wait3A_180 : memref<1x1x56x128xf32, #tpu.memory_space<vmem>> -> memref<56x128xf32, #tpu.memory_space<vmem>>
    %dma_wait3A_182 = arith.constant 336 : i32
    %dma_wait3A_183 = tpu.memref_slice %arg5[%dma_wait3A_182] : memref<28672xi32, #tpu.memory_space<vmem>> -> memref<56xi32, #tpu.memory_space<vmem>>
    %dma_wait3A_184 = arith.constant 0 : i32
    %dma_wait3A_185 = arith.constant 0 : i32
    %dma_wait3A_186 = tpu.memref_slice %arg3[%dma_wait3A_184, %dma_wait3A_185] : memref<1000000x128xf32, #tpu.memory_space<hbm>> -> memref<1000000x128xf32, #tpu.memory_space<hbm>>
    tpu.wait_indirect_dma semaphore(%arg8 : memref<!tpu.dma_semaphore, #tpu.memory_space<semaphore_mem>>) src(%dma_wait3A_186 : memref<1000000x128xf32, #tpu.memory_space<hbm>>) dst(%dma_wait3A_181 : memref<56x128xf32, #tpu.memory_space<vmem>>)
    %dma_wait3A_187 = arith.constant 1 : i32
    %dma_wait3A_188 = arith.constant 3 : i32
    %dma_wait3A_189 = arith.constant 0 : i32
    %dma_wait3A_190 = arith.constant 0 : i32
    %dma_wait3A_191 = tpu.memref_slice %arg6[%dma_wait3A_187, %dma_wait3A_188, %dma_wait3A_189, %dma_wait3A_190] : memref<2x4x56x128xf32, #tpu.memory_space<vmem>> -> memref<1x1x56x128xf32, #tpu.memory_space<vmem>>
    %dma_wait3A_192 = tpu.memref_squeeze %dma_wait3A_191 : memref<1x1x56x128xf32, #tpu.memory_space<vmem>> -> memref<56x128xf32, #tpu.memory_space<vmem>>
    %dma_wait3A_193 = arith.constant 392 : i32
    %dma_wait3A_194 = tpu.memref_slice %arg5[%dma_wait3A_193] : memref<28672xi32, #tpu.memory_space<vmem>> -> memref<56xi32, #tpu.memory_space<vmem>>
    %dma_wait3A_195 = arith.constant 0 : i32
    %dma_wait3A_196 = arith.constant 0 : i32
    %dma_wait3A_197 = tpu.memref_slice %arg3[%dma_wait3A_195, %dma_wait3A_196] : memref<1000000x128xf32, #tpu.memory_space<hbm>> -> memref<1000000x128xf32, #tpu.memory_space<hbm>>
    tpu.wait_indirect_dma semaphore(%arg8 : memref<!tpu.dma_semaphore, #tpu.memory_space<semaphore_mem>>) src(%dma_wait3A_197 : memref<1000000x128xf32, #tpu.memory_space<hbm>>) dst(%dma_wait3A_192 : memref<56x128xf32, #tpu.memory_space<vmem>>)
    %add3A_198 = arith.constant 4 : i32
    %add3A_199 = arith.addi %mul3A_2, %add3A_198 : i32
    %dma_start3A_200 = arith.constant 1 : i32
    %dma_start3A_201 = arith.constant 0 : i32
    %dma_start3A_202 = arith.constant 0 : i32
    %dma_start3A_203 = arith.constant 0 : i32
    %dma_start3A_204 = tpu.memref_slice %arg6[%dma_start3A_200, %dma_start3A_201, %dma_start3A_202, %dma_start3A_203] : memref<2x4x56x128xf32, #tpu.memory_space<vmem>> -> memref<1x4x50x128xf32, #tpu.memory_space<vmem>>
    %dma_start3A_205 = tpu.memref_squeeze %dma_start3A_204 : memref<1x4x50x128xf32, #tpu.memory_space<vmem>> -> memref<4x50x128xf32, #tpu.memory_space<vmem>>
    %dma_start3A_206 = arith.constant 0 : i32
    %dma_start3A_207 = arith.constant 0 : i32
    %dma_start3A_208 = tpu.memref_slice %arg4[%add3A_199, %dma_start3A_206, %dma_start3A_207] : memref<16384x50x128xf32, #tpu.memory_space<hbm>> -> memref<4x50x128xf32, #tpu.memory_space<hbm>>
    %dma_start3A_209 = arith.constant 0 : i32
    %dma_start3A_210 = arith.constant 0 : i32
    %dma_start3A_211 = tpu.memref_slice %arg4[%add3A_199, %dma_start3A_209, %dma_start3A_210] : memref<16384x50x128xf32, #tpu.memory_space<hbm>> -> memref<4x50x128xf32, #tpu.memory_space<hbm>>
    %dma_start3A_212 = arith.constant 0 : i32
    %dma_start3A_213 = arith.constant 0 : i32
    %dma_start3A_214 = arith.constant 0 : i32
    %dma_start3A_215 = tpu.memref_slice %arg6[%dma_start3A_200, %dma_start3A_212, %dma_start3A_213, %dma_start3A_214] : memref<2x4x56x128xf32, #tpu.memory_space<vmem>> -> memref<1x4x50x128xf32, #tpu.memory_space<vmem>>
    %dma_start3A_216 = tpu.memref_squeeze %dma_start3A_215 : memref<1x4x50x128xf32, #tpu.memory_space<vmem>> -> memref<4x50x128xf32, #tpu.memory_space<vmem>>
    tpu.enqueue_dma source(%dma_start3A_216 : memref<4x50x128xf32, #tpu.memory_space<vmem>>) target(%dma_start3A_211 : memref<4x50x128xf32, #tpu.memory_space<hbm>>) target_semaphore(%arg10 : memref<!tpu.dma_semaphore, #tpu.memory_space<semaphore_mem>>)
    %scan3A = arith.constant 0 : i32
    %scan3A_217 = arith.constant 1 : i32
    %scan3A_218 = arith.constant 63 : i32
    %scan3A_219 = arith.addi %scan3A_217, %scan3A_218 : i32
    %scan3A_220 = arith.constant 1 : i32
    scf.for %scan3A_256 = %scan3A_217 to %scan3A_219 step %scan3A_220  : i32 {
      %mul3A_257 = arith.constant 2 : i32
      %mul3A_258 = arith.muli %scan3A_256, %mul3A_257 : i32
      %dma_wait3A_259 = arith.constant 0 : i32
      %dma_wait3A_260 = arith.constant 0 : i32
      %dma_wait3A_261 = arith.constant 0 : i32
      %dma_wait3A_262 = arith.constant 0 : i32
      %dma_wait3A_263 = tpu.memref_slice %arg6[%dma_wait3A_259, %dma_wait3A_260, %dma_wait3A_261, %dma_wait3A_262] : memref<2x4x56x128xf32, #tpu.memory_space<vmem>> -> memref<1x4x50x128xf32, #tpu.memory_space<vmem>>
      %dma_wait3A_264 = tpu.memref_squeeze %dma_wait3A_263 : memref<1x4x50x128xf32, #tpu.memory_space<vmem>> -> memref<4x50x128xf32, #tpu.memory_space<vmem>>
      %dma_wait3A_265 = arith.constant 0 : i32
      %dma_wait3A_266 = arith.constant 0 : i32
      %dma_wait3A_267 = tpu.memref_slice %arg4[%mul3A_2, %dma_wait3A_265, %dma_wait3A_266] : memref<16384x50x128xf32, #tpu.memory_space<hbm>> -> memref<4x50x128xf32, #tpu.memory_space<hbm>>
      %dma_wait3A_268 = arith.constant 0 : i32
      %dma_wait3A_269 = arith.constant 0 : i32
      %dma_wait3A_270 = tpu.memref_slice %arg4[%mul3A_2, %dma_wait3A_268, %dma_wait3A_269] : memref<16384x50x128xf32, #tpu.memory_space<hbm>> -> memref<4x50x128xf32, #tpu.memory_space<hbm>>
      %dma_wait3A_271 = arith.constant 0 : i32
      %dma_wait3A_272 = arith.constant 0 : i32
      %dma_wait3A_273 = arith.constant 0 : i32
      %dma_wait3A_274 = tpu.memref_slice %arg6[%dma_wait3A_259, %dma_wait3A_271, %dma_wait3A_272, %dma_wait3A_273] : memref<2x4x56x128xf32, #tpu.memory_space<vmem>> -> memref<1x4x50x128xf32, #tpu.memory_space<vmem>>
      %dma_wait3A_275 = tpu.memref_squeeze %dma_wait3A_274 : memref<1x4x50x128xf32, #tpu.memory_space<vmem>> -> memref<4x50x128xf32, #tpu.memory_space<vmem>>
      tpu.wait_dma2 semaphore(%arg9 : memref<!tpu.dma_semaphore, #tpu.memory_space<semaphore_mem>>) src(%dma_wait3A_275 : memref<4x50x128xf32, #tpu.memory_space<vmem>>) dst(%dma_wait3A_270 : memref<4x50x128xf32, #tpu.memory_space<hbm>>)
      %mul3A_276 = arith.constant 4 : i32
      %mul3A_277 = arith.muli %mul3A_258, %mul3A_276 : i32
      %add3A_278 = arith.constant 0 : i32
      %add3A_279 = arith.addi %mul3A_277, %add3A_278 : i32
      %mul3A_280 = arith.constant 56 : i32
      %mul3A_281 = arith.muli %add3A_279, %mul3A_280 : i32
      %dma_start3A_282 = arith.constant 0 : i32
      %dma_start3A_283 = arith.constant 0 : i32
      %dma_start3A_284 = arith.constant 0 : i32
      %dma_start3A_285 = arith.constant 0 : i32
      %dma_start3A_286 = tpu.memref_slice %arg6[%dma_start3A_282, %dma_start3A_283, %dma_start3A_284, %dma_start3A_285] : memref<2x4x56x128xf32, #tpu.memory_space<vmem>> -> memref<1x1x56x128xf32, #tpu.memory_space<vmem>>
      %dma_start3A_287 = tpu.memref_squeeze %dma_start3A_286 : memref<1x1x56x128xf32, #tpu.memory_space<vmem>> -> memref<56x128xf32, #tpu.memory_space<vmem>>
      %dma_start3A_288 = tpu.memref_slice %arg5[%mul3A_281] : memref<28672xi32, #tpu.memory_space<vmem>> -> memref<56xi32, #tpu.memory_space<vmem>>
      %dma_start3A_289 = arith.constant 0 : i32
      %dma_start3A_290 = arith.constant 0 : i32
      %dma_start3A_291 = tpu.memref_slice %arg3[%dma_start3A_289, %dma_start3A_290] : memref<1000000x128xf32, #tpu.memory_space<hbm>> -> memref<1000000x128xf32, #tpu.memory_space<hbm>>
      tpu.enqueue_indirect_dma source(%dma_start3A_291 : memref<1000000x128xf32, #tpu.memory_space<hbm>>) target(%dma_start3A_287 : memref<56x128xf32, #tpu.memory_space<vmem>>) offsets(%dma_start3A_288 : memref<56xi32, #tpu.memory_space<vmem>>) semaphore(%arg7 : memref<!tpu.dma_semaphore, #tpu.memory_space<semaphore_mem>>)
      %mul3A_292 = arith.constant 4 : i32
      %mul3A_293 = arith.muli %mul3A_258, %mul3A_292 : i32
      %add3A_294 = arith.constant 1 : i32
      %add3A_295 = arith.addi %mul3A_293, %add3A_294 : i32
      %mul3A_296 = arith.constant 56 : i32
      %mul3A_297 = arith.muli %add3A_295, %mul3A_296 : i32
      %dma_start3A_298 = arith.constant 0 : i32
      %dma_start3A_299 = arith.constant 1 : i32
      %dma_start3A_300 = arith.constant 0 : i32
      %dma_start3A_301 = arith.constant 0 : i32
      %dma_start3A_302 = tpu.memref_slice %arg6[%dma_start3A_298, %dma_start3A_299, %dma_start3A_300, %dma_start3A_301] : memref<2x4x56x128xf32, #tpu.memory_space<vmem>> -> memref<1x1x56x128xf32, #tpu.memory_space<vmem>>
      %dma_start3A_303 = tpu.memref_squeeze %dma_start3A_302 : memref<1x1x56x128xf32, #tpu.memory_space<vmem>> -> memref<56x128xf32, #tpu.memory_space<vmem>>
      %dma_start3A_304 = tpu.memref_slice %arg5[%mul3A_297] : memref<28672xi32, #tpu.memory_space<vmem>> -> memref<56xi32, #tpu.memory_space<vmem>>
      %dma_start3A_305 = arith.constant 0 : i32
      %dma_start3A_306 = arith.constant 0 : i32
      %dma_start3A_307 = tpu.memref_slice %arg3[%dma_start3A_305, %dma_start3A_306] : memref<1000000x128xf32, #tpu.memory_space<hbm>> -> memref<1000000x128xf32, #tpu.memory_space<hbm>>
      tpu.enqueue_indirect_dma source(%dma_start3A_307 : memref<1000000x128xf32, #tpu.memory_space<hbm>>) target(%dma_start3A_303 : memref<56x128xf32, #tpu.memory_space<vmem>>) offsets(%dma_start3A_304 : memref<56xi32, #tpu.memory_space<vmem>>) semaphore(%arg7 : memref<!tpu.dma_semaphore, #tpu.memory_space<semaphore_mem>>)
      %mul3A_308 = arith.constant 4 : i32
      %mul3A_309 = arith.muli %mul3A_258, %mul3A_308 : i32
      %add3A_310 = arith.constant 2 : i32
      %add3A_311 = arith.addi %mul3A_309, %add3A_310 : i32
      %mul3A_312 = arith.constant 56 : i32
      %mul3A_313 = arith.muli %add3A_311, %mul3A_312 : i32
      %dma_start3A_314 = arith.constant 0 : i32
      %dma_start3A_315 = arith.constant 2 : i32
      %dma_start3A_316 = arith.constant 0 : i32
      %dma_start3A_317 = arith.constant 0 : i32
      %dma_start3A_318 = tpu.memref_slice %arg6[%dma_start3A_314, %dma_start3A_315, %dma_start3A_316, %dma_start3A_317] : memref<2x4x56x128xf32, #tpu.memory_space<vmem>> -> memref<1x1x56x128xf32, #tpu.memory_space<vmem>>
      %dma_start3A_319 = tpu.memref_squeeze %dma_start3A_318 : memref<1x1x56x128xf32, #tpu.memory_space<vmem>> -> memref<56x128xf32, #tpu.memory_space<vmem>>
      %dma_start3A_320 = tpu.memref_slice %arg5[%mul3A_313] : memref<28672xi32, #tpu.memory_space<vmem>> -> memref<56xi32, #tpu.memory_space<vmem>>
      %dma_start3A_321 = arith.constant 0 : i32
      %dma_start3A_322 = arith.constant 0 : i32
      %dma_start3A_323 = tpu.memref_slice %arg3[%dma_start3A_321, %dma_start3A_322] : memref<1000000x128xf32, #tpu.memory_space<hbm>> -> memref<1000000x128xf32, #tpu.memory_space<hbm>>
      tpu.enqueue_indirect_dma source(%dma_start3A_323 : memref<1000000x128xf32, #tpu.memory_space<hbm>>) target(%dma_start3A_319 : memref<56x128xf32, #tpu.memory_space<vmem>>) offsets(%dma_start3A_320 : memref<56xi32, #tpu.memory_space<vmem>>) semaphore(%arg7 : memref<!tpu.dma_semaphore, #tpu.memory_space<semaphore_mem>>)
      %mul3A_324 = arith.constant 4 : i32
      %mul3A_325 = arith.muli %mul3A_258, %mul3A_324 : i32
      %add3A_326 = arith.constant 3 : i32
      %add3A_327 = arith.addi %mul3A_325, %add3A_326 : i32
      %mul3A_328 = arith.constant 56 : i32
      %mul3A_329 = arith.muli %add3A_327, %mul3A_328 : i32
      %dma_start3A_330 = arith.constant 0 : i32
      %dma_start3A_331 = arith.constant 3 : i32
      %dma_start3A_332 = arith.constant 0 : i32
      %dma_start3A_333 = arith.constant 0 : i32
      %dma_start3A_334 = tpu.memref_slice %arg6[%dma_start3A_330, %dma_start3A_331, %dma_start3A_332, %dma_start3A_333] : memref<2x4x56x128xf32, #tpu.memory_space<vmem>> -> memref<1x1x56x128xf32, #tpu.memory_space<vmem>>
      %dma_start3A_335 = tpu.memref_squeeze %dma_start3A_334 : memref<1x1x56x128xf32, #tpu.memory_space<vmem>> -> memref<56x128xf32, #tpu.memory_space<vmem>>
      %dma_start3A_336 = tpu.memref_slice %arg5[%mul3A_329] : memref<28672xi32, #tpu.memory_space<vmem>> -> memref<56xi32, #tpu.memory_space<vmem>>
      %dma_start3A_337 = arith.constant 0 : i32
      %dma_start3A_338 = arith.constant 0 : i32
      %dma_start3A_339 = tpu.memref_slice %arg3[%dma_start3A_337, %dma_start3A_338] : memref<1000000x128xf32, #tpu.memory_space<hbm>> -> memref<1000000x128xf32, #tpu.memory_space<hbm>>
      tpu.enqueue_indirect_dma source(%dma_start3A_339 : memref<1000000x128xf32, #tpu.memory_space<hbm>>) target(%dma_start3A_335 : memref<56x128xf32, #tpu.memory_space<vmem>>) offsets(%dma_start3A_336 : memref<56xi32, #tpu.memory_space<vmem>>) semaphore(%arg7 : memref<!tpu.dma_semaphore, #tpu.memory_space<semaphore_mem>>)
      %dma_wait3A_340 = arith.constant 1 : i32
      %dma_wait3A_341 = arith.constant 0 : i32
      %dma_wait3A_342 = arith.constant 0 : i32
      %dma_wait3A_343 = arith.constant 0 : i32
      %dma_wait3A_344 = tpu.memref_slice %arg6[%dma_wait3A_340, %dma_wait3A_341, %dma_wait3A_342, %dma_wait3A_343] : memref<2x4x56x128xf32, #tpu.memory_space<vmem>> -> memref<1x4x50x128xf32, #tpu.memory_space<vmem>>
      %dma_wait3A_345 = tpu.memref_squeeze %dma_wait3A_344 : memref<1x4x50x128xf32, #tpu.memory_space<vmem>> -> memref<4x50x128xf32, #tpu.memory_space<vmem>>
      %dma_wait3A_346 = arith.constant 0 : i32
      %dma_wait3A_347 = arith.constant 0 : i32
      %dma_wait3A_348 = tpu.memref_slice %arg4[%mul3A_2, %dma_wait3A_346, %dma_wait3A_347] : memref<16384x50x128xf32, #tpu.memory_space<hbm>> -> memref<4x50x128xf32, #tpu.memory_space<hbm>>
      %dma_wait3A_349 = arith.constant 0 : i32
      %dma_wait3A_350 = arith.constant 0 : i32
      %dma_wait3A_351 = tpu.memref_slice %arg4[%mul3A_2, %dma_wait3A_349, %dma_wait3A_350] : memref<16384x50x128xf32, #tpu.memory_space<hbm>> -> memref<4x50x128xf32, #tpu.memory_space<hbm>>
      %dma_wait3A_352 = arith.constant 0 : i32
      %dma_wait3A_353 = arith.constant 0 : i32
      %dma_wait3A_354 = arith.constant 0 : i32
      %dma_wait3A_355 = tpu.memref_slice %arg6[%dma_wait3A_340, %dma_wait3A_352, %dma_wait3A_353, %dma_wait3A_354] : memref<2x4x56x128xf32, #tpu.memory_space<vmem>> -> memref<1x4x50x128xf32, #tpu.memory_space<vmem>>
      %dma_wait3A_356 = tpu.memref_squeeze %dma_wait3A_355 : memref<1x4x50x128xf32, #tpu.memory_space<vmem>> -> memref<4x50x128xf32, #tpu.memory_space<vmem>>
      tpu.wait_dma2 semaphore(%arg10 : memref<!tpu.dma_semaphore, #tpu.memory_space<semaphore_mem>>) src(%dma_wait3A_356 : memref<4x50x128xf32, #tpu.memory_space<vmem>>) dst(%dma_wait3A_351 : memref<4x50x128xf32, #tpu.memory_space<hbm>>)
      %add3A_357 = arith.constant 1 : i32
      %add3A_358 = arith.addi %mul3A_258, %add3A_357 : i32
      %mul3A_359 = arith.constant 4 : i32
      %mul3A_360 = arith.muli %add3A_358, %mul3A_359 : i32
      %add3A_361 = arith.constant 0 : i32
      %add3A_362 = arith.addi %mul3A_360, %add3A_361 : i32
      %mul3A_363 = arith.constant 56 : i32
      %mul3A_364 = arith.muli %add3A_362, %mul3A_363 : i32
      %dma_start3A_365 = arith.constant 1 : i32
      %dma_start3A_366 = arith.constant 0 : i32
      %dma_start3A_367 = arith.constant 0 : i32
      %dma_start3A_368 = arith.constant 0 : i32
      %dma_start3A_369 = tpu.memref_slice %arg6[%dma_start3A_365, %dma_start3A_366, %dma_start3A_367, %dma_start3A_368] : memref<2x4x56x128xf32, #tpu.memory_space<vmem>> -> memref<1x1x56x128xf32, #tpu.memory_space<vmem>>
      %dma_start3A_370 = tpu.memref_squeeze %dma_start3A_369 : memref<1x1x56x128xf32, #tpu.memory_space<vmem>> -> memref<56x128xf32, #tpu.memory_space<vmem>>
      %dma_start3A_371 = tpu.memref_slice %arg5[%mul3A_364] : memref<28672xi32, #tpu.memory_space<vmem>> -> memref<56xi32, #tpu.memory_space<vmem>>
      %dma_start3A_372 = arith.constant 0 : i32
      %dma_start3A_373 = arith.constant 0 : i32
      %dma_start3A_374 = tpu.memref_slice %arg3[%dma_start3A_372, %dma_start3A_373] : memref<1000000x128xf32, #tpu.memory_space<hbm>> -> memref<1000000x128xf32, #tpu.memory_space<hbm>>
      tpu.enqueue_indirect_dma source(%dma_start3A_374 : memref<1000000x128xf32, #tpu.memory_space<hbm>>) target(%dma_start3A_370 : memref<56x128xf32, #tpu.memory_space<vmem>>) offsets(%dma_start3A_371 : memref<56xi32, #tpu.memory_space<vmem>>) semaphore(%arg8 : memref<!tpu.dma_semaphore, #tpu.memory_space<semaphore_mem>>)
      %mul3A_375 = arith.constant 4 : i32
      %mul3A_376 = arith.muli %add3A_358, %mul3A_375 : i32
      %add3A_377 = arith.constant 1 : i32
      %add3A_378 = arith.addi %mul3A_376, %add3A_377 : i32
      %mul3A_379 = arith.constant 56 : i32
      %mul3A_380 = arith.muli %add3A_378, %mul3A_379 : i32
      %dma_start3A_381 = arith.constant 1 : i32
      %dma_start3A_382 = arith.constant 1 : i32
      %dma_start3A_383 = arith.constant 0 : i32
      %dma_start3A_384 = arith.constant 0 : i32
      %dma_start3A_385 = tpu.memref_slice %arg6[%dma_start3A_381, %dma_start3A_382, %dma_start3A_383, %dma_start3A_384] : memref<2x4x56x128xf32, #tpu.memory_space<vmem>> -> memref<1x1x56x128xf32, #tpu.memory_space<vmem>>
      %dma_start3A_386 = tpu.memref_squeeze %dma_start3A_385 : memref<1x1x56x128xf32, #tpu.memory_space<vmem>> -> memref<56x128xf32, #tpu.memory_space<vmem>>
      %dma_start3A_387 = tpu.memref_slice %arg5[%mul3A_380] : memref<28672xi32, #tpu.memory_space<vmem>> -> memref<56xi32, #tpu.memory_space<vmem>>
      %dma_start3A_388 = arith.constant 0 : i32
      %dma_start3A_389 = arith.constant 0 : i32
      %dma_start3A_390 = tpu.memref_slice %arg3[%dma_start3A_388, %dma_start3A_389] : memref<1000000x128xf32, #tpu.memory_space<hbm>> -> memref<1000000x128xf32, #tpu.memory_space<hbm>>
      tpu.enqueue_indirect_dma source(%dma_start3A_390 : memref<1000000x128xf32, #tpu.memory_space<hbm>>) target(%dma_start3A_386 : memref<56x128xf32, #tpu.memory_space<vmem>>) offsets(%dma_start3A_387 : memref<56xi32, #tpu.memory_space<vmem>>) semaphore(%arg8 : memref<!tpu.dma_semaphore, #tpu.memory_space<semaphore_mem>>)
      %mul3A_391 = arith.constant 4 : i32
      %mul3A_392 = arith.muli %add3A_358, %mul3A_391 : i32
      %add3A_393 = arith.constant 2 : i32
      %add3A_394 = arith.addi %mul3A_392, %add3A_393 : i32
      %mul3A_395 = arith.constant 56 : i32
      %mul3A_396 = arith.muli %add3A_394, %mul3A_395 : i32
      %dma_start3A_397 = arith.constant 1 : i32
      %dma_start3A_398 = arith.constant 2 : i32
      %dma_start3A_399 = arith.constant 0 : i32
      %dma_start3A_400 = arith.constant 0 : i32
      %dma_start3A_401 = tpu.memref_slice %arg6[%dma_start3A_397, %dma_start3A_398, %dma_start3A_399, %dma_start3A_400] : memref<2x4x56x128xf32, #tpu.memory_space<vmem>> -> memref<1x1x56x128xf32, #tpu.memory_space<vmem>>
      %dma_start3A_402 = tpu.memref_squeeze %dma_start3A_401 : memref<1x1x56x128xf32, #tpu.memory_space<vmem>> -> memref<56x128xf32, #tpu.memory_space<vmem>>
      %dma_start3A_403 = tpu.memref_slice %arg5[%mul3A_396] : memref<28672xi32, #tpu.memory_space<vmem>> -> memref<56xi32, #tpu.memory_space<vmem>>
      %dma_start3A_404 = arith.constant 0 : i32
      %dma_start3A_405 = arith.constant 0 : i32
      %dma_start3A_406 = tpu.memref_slice %arg3[%dma_start3A_404, %dma_start3A_405] : memref<1000000x128xf32, #tpu.memory_space<hbm>> -> memref<1000000x128xf32, #tpu.memory_space<hbm>>
      tpu.enqueue_indirect_dma source(%dma_start3A_406 : memref<1000000x128xf32, #tpu.memory_space<hbm>>) target(%dma_start3A_402 : memref<56x128xf32, #tpu.memory_space<vmem>>) offsets(%dma_start3A_403 : memref<56xi32, #tpu.memory_space<vmem>>) semaphore(%arg8 : memref<!tpu.dma_semaphore, #tpu.memory_space<semaphore_mem>>)
      %mul3A_407 = arith.constant 4 : i32
      %mul3A_408 = arith.muli %add3A_358, %mul3A_407 : i32
      %add3A_409 = arith.constant 3 : i32
      %add3A_410 = arith.addi %mul3A_408, %add3A_409 : i32
      %mul3A_411 = arith.constant 56 : i32
      %mul3A_412 = arith.muli %add3A_410, %mul3A_411 : i32
      %dma_start3A_413 = arith.constant 1 : i32
      %dma_start3A_414 = arith.constant 3 : i32
      %dma_start3A_415 = arith.constant 0 : i32
      %dma_start3A_416 = arith.constant 0 : i32
      %dma_start3A_417 = tpu.memref_slice %arg6[%dma_start3A_413, %dma_start3A_414, %dma_start3A_415, %dma_start3A_416] : memref<2x4x56x128xf32, #tpu.memory_space<vmem>> -> memref<1x1x56x128xf32, #tpu.memory_space<vmem>>
      %dma_start3A_418 = tpu.memref_squeeze %dma_start3A_417 : memref<1x1x56x128xf32, #tpu.memory_space<vmem>> -> memref<56x128xf32, #tpu.memory_space<vmem>>
      %dma_start3A_419 = tpu.memref_slice %arg5[%mul3A_412] : memref<28672xi32, #tpu.memory_space<vmem>> -> memref<56xi32, #tpu.memory_space<vmem>>
      %dma_start3A_420 = arith.constant 0 : i32
      %dma_start3A_421 = arith.constant 0 : i32
      %dma_start3A_422 = tpu.memref_slice %arg3[%dma_start3A_420, %dma_start3A_421] : memref<1000000x128xf32, #tpu.memory_space<hbm>> -> memref<1000000x128xf32, #tpu.memory_space<hbm>>
      tpu.enqueue_indirect_dma source(%dma_start3A_422 : memref<1000000x128xf32, #tpu.memory_space<hbm>>) target(%dma_start3A_418 : memref<56x128xf32, #tpu.memory_space<vmem>>) offsets(%dma_start3A_419 : memref<56xi32, #tpu.memory_space<vmem>>) semaphore(%arg8 : memref<!tpu.dma_semaphore, #tpu.memory_space<semaphore_mem>>)
      %dma_wait3A_423 = arith.constant 0 : i32
      %dma_wait3A_424 = arith.constant 0 : i32
      %dma_wait3A_425 = arith.constant 0 : i32
      %dma_wait3A_426 = arith.constant 0 : i32
      %dma_wait3A_427 = tpu.memref_slice %arg6[%dma_wait3A_423, %dma_wait3A_424, %dma_wait3A_425, %dma_wait3A_426] : memref<2x4x56x128xf32, #tpu.memory_space<vmem>> -> memref<1x1x56x128xf32, #tpu.memory_space<vmem>>
      %dma_wait3A_428 = tpu.memref_squeeze %dma_wait3A_427 : memref<1x1x56x128xf32, #tpu.memory_space<vmem>> -> memref<56x128xf32, #tpu.memory_space<vmem>>
      %dma_wait3A_429 = tpu.memref_slice %arg5[%mul3A_281] : memref<28672xi32, #tpu.memory_space<vmem>> -> memref<56xi32, #tpu.memory_space<vmem>>
      %dma_wait3A_430 = arith.constant 0 : i32
      %dma_wait3A_431 = arith.constant 0 : i32
      %dma_wait3A_432 = tpu.memref_slice %arg3[%dma_wait3A_430, %dma_wait3A_431] : memref<1000000x128xf32, #tpu.memory_space<hbm>> -> memref<1000000x128xf32, #tpu.memory_space<hbm>>
      tpu.wait_indirect_dma semaphore(%arg7 : memref<!tpu.dma_semaphore, #tpu.memory_space<semaphore_mem>>) src(%dma_wait3A_432 : memref<1000000x128xf32, #tpu.memory_space<hbm>>) dst(%dma_wait3A_428 : memref<56x128xf32, #tpu.memory_space<vmem>>)
      %dma_wait3A_433 = arith.constant 0 : i32
      %dma_wait3A_434 = arith.constant 1 : i32
      %dma_wait3A_435 = arith.constant 0 : i32
      %dma_wait3A_436 = arith.constant 0 : i32
      %dma_wait3A_437 = tpu.memref_slice %arg6[%dma_wait3A_433, %dma_wait3A_434, %dma_wait3A_435, %dma_wait3A_436] : memref<2x4x56x128xf32, #tpu.memory_space<vmem>> -> memref<1x1x56x128xf32, #tpu.memory_space<vmem>>
      %dma_wait3A_438 = tpu.memref_squeeze %dma_wait3A_437 : memref<1x1x56x128xf32, #tpu.memory_space<vmem>> -> memref<56x128xf32, #tpu.memory_space<vmem>>
      %dma_wait3A_439 = tpu.memref_slice %arg5[%mul3A_297] : memref<28672xi32, #tpu.memory_space<vmem>> -> memref<56xi32, #tpu.memory_space<vmem>>
      %dma_wait3A_440 = arith.constant 0 : i32
      %dma_wait3A_441 = arith.constant 0 : i32
      %dma_wait3A_442 = tpu.memref_slice %arg3[%dma_wait3A_440, %dma_wait3A_441] : memref<1000000x128xf32, #tpu.memory_space<hbm>> -> memref<1000000x128xf32, #tpu.memory_space<hbm>>
      tpu.wait_indirect_dma semaphore(%arg7 : memref<!tpu.dma_semaphore, #tpu.memory_space<semaphore_mem>>) src(%dma_wait3A_442 : memref<1000000x128xf32, #tpu.memory_space<hbm>>) dst(%dma_wait3A_438 : memref<56x128xf32, #tpu.memory_space<vmem>>)
      %dma_wait3A_443 = arith.constant 0 : i32
      %dma_wait3A_444 = arith.constant 2 : i32
      %dma_wait3A_445 = arith.constant 0 : i32
      %dma_wait3A_446 = arith.constant 0 : i32
      %dma_wait3A_447 = tpu.memref_slice %arg6[%dma_wait3A_443, %dma_wait3A_444, %dma_wait3A_445, %dma_wait3A_446] : memref<2x4x56x128xf32, #tpu.memory_space<vmem>> -> memref<1x1x56x128xf32, #tpu.memory_space<vmem>>
      %dma_wait3A_448 = tpu.memref_squeeze %dma_wait3A_447 : memref<1x1x56x128xf32, #tpu.memory_space<vmem>> -> memref<56x128xf32, #tpu.memory_space<vmem>>
      %dma_wait3A_449 = tpu.memref_slice %arg5[%mul3A_313] : memref<28672xi32, #tpu.memory_space<vmem>> -> memref<56xi32, #tpu.memory_space<vmem>>
      %dma_wait3A_450 = arith.constant 0 : i32
      %dma_wait3A_451 = arith.constant 0 : i32
      %dma_wait3A_452 = tpu.memref_slice %arg3[%dma_wait3A_450, %dma_wait3A_451] : memref<1000000x128xf32, #tpu.memory_space<hbm>> -> memref<1000000x128xf32, #tpu.memory_space<hbm>>
      tpu.wait_indirect_dma semaphore(%arg7 : memref<!tpu.dma_semaphore, #tpu.memory_space<semaphore_mem>>) src(%dma_wait3A_452 : memref<1000000x128xf32, #tpu.memory_space<hbm>>) dst(%dma_wait3A_448 : memref<56x128xf32, #tpu.memory_space<vmem>>)
      %dma_wait3A_453 = arith.constant 0 : i32
      %dma_wait3A_454 = arith.constant 3 : i32
      %dma_wait3A_455 = arith.constant 0 : i32
      %dma_wait3A_456 = arith.constant 0 : i32
      %dma_wait3A_457 = tpu.memref_slice %arg6[%dma_wait3A_453, %dma_wait3A_454, %dma_wait3A_455, %dma_wait3A_456] : memref<2x4x56x128xf32, #tpu.memory_space<vmem>> -> memref<1x1x56x128xf32, #tpu.memory_space<vmem>>
      %dma_wait3A_458 = tpu.memref_squeeze %dma_wait3A_457 : memref<1x1x56x128xf32, #tpu.memory_space<vmem>> -> memref<56x128xf32, #tpu.memory_space<vmem>>
      %dma_wait3A_459 = tpu.memref_slice %arg5[%mul3A_329] : memref<28672xi32, #tpu.memory_space<vmem>> -> memref<56xi32, #tpu.memory_space<vmem>>
      %dma_wait3A_460 = arith.constant 0 : i32
      %dma_wait3A_461 = arith.constant 0 : i32
      %dma_wait3A_462 = tpu.memref_slice %arg3[%dma_wait3A_460, %dma_wait3A_461] : memref<1000000x128xf32, #tpu.memory_space<hbm>> -> memref<1000000x128xf32, #tpu.memory_space<hbm>>
      tpu.wait_indirect_dma semaphore(%arg7 : memref<!tpu.dma_semaphore, #tpu.memory_space<semaphore_mem>>) src(%dma_wait3A_462 : memref<1000000x128xf32, #tpu.memory_space<hbm>>) dst(%dma_wait3A_458 : memref<56x128xf32, #tpu.memory_space<vmem>>)
      %mul3A_463 = arith.constant 4 : i32
      %mul3A_464 = arith.muli %mul3A_258, %mul3A_463 : i32
      %add3A_465 = arith.addi %mul3A_2, %mul3A_464 : i32
      %dma_start3A_466 = arith.constant 0 : i32
      %dma_start3A_467 = arith.constant 0 : i32
      %dma_start3A_468 = arith.constant 0 : i32
      %dma_start3A_469 = arith.constant 0 : i32
      %dma_start3A_470 = tpu.memref_slice %arg6[%dma_start3A_466, %dma_start3A_467, %dma_start3A_468, %dma_start3A_469] : memref<2x4x56x128xf32, #tpu.memory_space<vmem>> -> memref<1x4x50x128xf32, #tpu.memory_space<vmem>>
      %dma_start3A_471 = tpu.memref_squeeze %dma_start3A_470 : memref<1x4x50x128xf32, #tpu.memory_space<vmem>> -> memref<4x50x128xf32, #tpu.memory_space<vmem>>
      %dma_start3A_472 = arith.constant 0 : i32
      %dma_start3A_473 = arith.constant 0 : i32
      %dma_start3A_474 = tpu.memref_slice %arg4[%add3A_465, %dma_start3A_472, %dma_start3A_473] : memref<16384x50x128xf32, #tpu.memory_space<hbm>> -> memref<4x50x128xf32, #tpu.memory_space<hbm>>
      %dma_start3A_475 = arith.constant 0 : i32
      %dma_start3A_476 = arith.constant 0 : i32
      %dma_start3A_477 = tpu.memref_slice %arg4[%add3A_465, %dma_start3A_475, %dma_start3A_476] : memref<16384x50x128xf32, #tpu.memory_space<hbm>> -> memref<4x50x128xf32, #tpu.memory_space<hbm>>
      %dma_start3A_478 = arith.constant 0 : i32
      %dma_start3A_479 = arith.constant 0 : i32
      %dma_start3A_480 = arith.constant 0 : i32
      %dma_start3A_481 = tpu.memref_slice %arg6[%dma_start3A_466, %dma_start3A_478, %dma_start3A_479, %dma_start3A_480] : memref<2x4x56x128xf32, #tpu.memory_space<vmem>> -> memref<1x4x50x128xf32, #tpu.memory_space<vmem>>
      %dma_start3A_482 = tpu.memref_squeeze %dma_start3A_481 : memref<1x4x50x128xf32, #tpu.memory_space<vmem>> -> memref<4x50x128xf32, #tpu.memory_space<vmem>>
      tpu.enqueue_dma source(%dma_start3A_482 : memref<4x50x128xf32, #tpu.memory_space<vmem>>) target(%dma_start3A_477 : memref<4x50x128xf32, #tpu.memory_space<hbm>>) target_semaphore(%arg9 : memref<!tpu.dma_semaphore, #tpu.memory_space<semaphore_mem>>)
      %dma_wait3A_483 = arith.constant 1 : i32
      %dma_wait3A_484 = arith.constant 0 : i32
      %dma_wait3A_485 = arith.constant 0 : i32
      %dma_wait3A_486 = arith.constant 0 : i32
      %dma_wait3A_487 = tpu.memref_slice %arg6[%dma_wait3A_483, %dma_wait3A_484, %dma_wait3A_485, %dma_wait3A_486] : memref<2x4x56x128xf32, #tpu.memory_space<vmem>> -> memref<1x1x56x128xf32, #tpu.memory_space<vmem>>
      %dma_wait3A_488 = tpu.memref_squeeze %dma_wait3A_487 : memref<1x1x56x128xf32, #tpu.memory_space<vmem>> -> memref<56x128xf32, #tpu.memory_space<vmem>>
      %dma_wait3A_489 = tpu.memref_slice %arg5[%mul3A_364] : memref<28672xi32, #tpu.memory_space<vmem>> -> memref<56xi32, #tpu.memory_space<vmem>>
      %dma_wait3A_490 = arith.constant 0 : i32
      %dma_wait3A_491 = arith.constant 0 : i32
      %dma_wait3A_492 = tpu.memref_slice %arg3[%dma_wait3A_490, %dma_wait3A_491] : memref<1000000x128xf32, #tpu.memory_space<hbm>> -> memref<1000000x128xf32, #tpu.memory_space<hbm>>
      tpu.wait_indirect_dma semaphore(%arg8 : memref<!tpu.dma_semaphore, #tpu.memory_space<semaphore_mem>>) src(%dma_wait3A_492 : memref<1000000x128xf32, #tpu.memory_space<hbm>>) dst(%dma_wait3A_488 : memref<56x128xf32, #tpu.memory_space<vmem>>)
      %dma_wait3A_493 = arith.constant 1 : i32
      %dma_wait3A_494 = arith.constant 1 : i32
      %dma_wait3A_495 = arith.constant 0 : i32
      %dma_wait3A_496 = arith.constant 0 : i32
      %dma_wait3A_497 = tpu.memref_slice %arg6[%dma_wait3A_493, %dma_wait3A_494, %dma_wait3A_495, %dma_wait3A_496] : memref<2x4x56x128xf32, #tpu.memory_space<vmem>> -> memref<1x1x56x128xf32, #tpu.memory_space<vmem>>
      %dma_wait3A_498 = tpu.memref_squeeze %dma_wait3A_497 : memref<1x1x56x128xf32, #tpu.memory_space<vmem>> -> memref<56x128xf32, #tpu.memory_space<vmem>>
      %dma_wait3A_499 = tpu.memref_slice %arg5[%mul3A_380] : memref<28672xi32, #tpu.memory_space<vmem>> -> memref<56xi32, #tpu.memory_space<vmem>>
      %dma_wait3A_500 = arith.constant 0 : i32
      %dma_wait3A_501 = arith.constant 0 : i32
      %dma_wait3A_502 = tpu.memref_slice %arg3[%dma_wait3A_500, %dma_wait3A_501] : memref<1000000x128xf32, #tpu.memory_space<hbm>> -> memref<1000000x128xf32, #tpu.memory_space<hbm>>
      tpu.wait_indirect_dma semaphore(%arg8 : memref<!tpu.dma_semaphore, #tpu.memory_space<semaphore_mem>>) src(%dma_wait3A_502 : memref<1000000x128xf32, #tpu.memory_space<hbm>>) dst(%dma_wait3A_498 : memref<56x128xf32, #tpu.memory_space<vmem>>)
      %dma_wait3A_503 = arith.constant 1 : i32
      %dma_wait3A_504 = arith.constant 2 : i32
      %dma_wait3A_505 = arith.constant 0 : i32
      %dma_wait3A_506 = arith.constant 0 : i32
      %dma_wait3A_507 = tpu.memref_slice %arg6[%dma_wait3A_503, %dma_wait3A_504, %dma_wait3A_505, %dma_wait3A_506] : memref<2x4x56x128xf32, #tpu.memory_space<vmem>> -> memref<1x1x56x128xf32, #tpu.memory_space<vmem>>
      %dma_wait3A_508 = tpu.memref_squeeze %dma_wait3A_507 : memref<1x1x56x128xf32, #tpu.memory_space<vmem>> -> memref<56x128xf32, #tpu.memory_space<vmem>>
      %dma_wait3A_509 = tpu.memref_slice %arg5[%mul3A_396] : memref<28672xi32, #tpu.memory_space<vmem>> -> memref<56xi32, #tpu.memory_space<vmem>>
      %dma_wait3A_510 = arith.constant 0 : i32
      %dma_wait3A_511 = arith.constant 0 : i32
      %dma_wait3A_512 = tpu.memref_slice %arg3[%dma_wait3A_510, %dma_wait3A_511] : memref<1000000x128xf32, #tpu.memory_space<hbm>> -> memref<1000000x128xf32, #tpu.memory_space<hbm>>
      tpu.wait_indirect_dma semaphore(%arg8 : memref<!tpu.dma_semaphore, #tpu.memory_space<semaphore_mem>>) src(%dma_wait3A_512 : memref<1000000x128xf32, #tpu.memory_space<hbm>>) dst(%dma_wait3A_508 : memref<56x128xf32, #tpu.memory_space<vmem>>)
      %dma_wait3A_513 = arith.constant 1 : i32
      %dma_wait3A_514 = arith.constant 3 : i32
      %dma_wait3A_515 = arith.constant 0 : i32
      %dma_wait3A_516 = arith.constant 0 : i32
      %dma_wait3A_517 = tpu.memref_slice %arg6[%dma_wait3A_513, %dma_wait3A_514, %dma_wait3A_515, %dma_wait3A_516] : memref<2x4x56x128xf32, #tpu.memory_space<vmem>> -> memref<1x1x56x128xf32, #tpu.memory_space<vmem>>
      %dma_wait3A_518 = tpu.memref_squeeze %dma_wait3A_517 : memref<1x1x56x128xf32, #tpu.memory_space<vmem>> -> memref<56x128xf32, #tpu.memory_space<vmem>>
      %dma_wait3A_519 = tpu.memref_slice %arg5[%mul3A_412] : memref<28672xi32, #tpu.memory_space<vmem>> -> memref<56xi32, #tpu.memory_space<vmem>>
      %dma_wait3A_520 = arith.constant 0 : i32
      %dma_wait3A_521 = arith.constant 0 : i32
      %dma_wait3A_522 = tpu.memref_slice %arg3[%dma_wait3A_520, %dma_wait3A_521] : memref<1000000x128xf32, #tpu.memory_space<hbm>> -> memref<1000000x128xf32, #tpu.memory_space<hbm>>
      tpu.wait_indirect_dma semaphore(%arg8 : memref<!tpu.dma_semaphore, #tpu.memory_space<semaphore_mem>>) src(%dma_wait3A_522 : memref<1000000x128xf32, #tpu.memory_space<hbm>>) dst(%dma_wait3A_518 : memref<56x128xf32, #tpu.memory_space<vmem>>)
      %add3A_523 = arith.constant 1 : i32
      %add3A_524 = arith.addi %mul3A_258, %add3A_523 : i32
      %mul3A_525 = arith.constant 4 : i32
      %mul3A_526 = arith.muli %add3A_524, %mul3A_525 : i32
      %add3A_527 = arith.addi %mul3A_2, %mul3A_526 : i32
      %dma_start3A_528 = arith.constant 1 : i32
      %dma_start3A_529 = arith.constant 0 : i32
      %dma_start3A_530 = arith.constant 0 : i32
      %dma_start3A_531 = arith.constant 0 : i32
      %dma_start3A_532 = tpu.memref_slice %arg6[%dma_start3A_528, %dma_start3A_529, %dma_start3A_530, %dma_start3A_531] : memref<2x4x56x128xf32, #tpu.memory_space<vmem>> -> memref<1x4x50x128xf32, #tpu.memory_space<vmem>>
      %dma_start3A_533 = tpu.memref_squeeze %dma_start3A_532 : memref<1x4x50x128xf32, #tpu.memory_space<vmem>> -> memref<4x50x128xf32, #tpu.memory_space<vmem>>
      %dma_start3A_534 = arith.constant 0 : i32
      %dma_start3A_535 = arith.constant 0 : i32
      %dma_start3A_536 = tpu.memref_slice %arg4[%add3A_527, %dma_start3A_534, %dma_start3A_535] : memref<16384x50x128xf32, #tpu.memory_space<hbm>> -> memref<4x50x128xf32, #tpu.memory_space<hbm>>
      %dma_start3A_537 = arith.constant 0 : i32
      %dma_start3A_538 = arith.constant 0 : i32
      %dma_start3A_539 = tpu.memref_slice %arg4[%add3A_527, %dma_start3A_537, %dma_start3A_538] : memref<16384x50x128xf32, #tpu.memory_space<hbm>> -> memref<4x50x128xf32, #tpu.memory_space<hbm>>
      %dma_start3A_540 = arith.constant 0 : i32
      %dma_start3A_541 = arith.constant 0 : i32
      %dma_start3A_542 = arith.constant 0 : i32
      %dma_start3A_543 = tpu.memref_slice %arg6[%dma_start3A_528, %dma_start3A_540, %dma_start3A_541, %dma_start3A_542] : memref<2x4x56x128xf32, #tpu.memory_space<vmem>> -> memref<1x4x50x128xf32, #tpu.memory_space<vmem>>
      %dma_start3A_544 = tpu.memref_squeeze %dma_start3A_543 : memref<1x4x50x128xf32, #tpu.memory_space<vmem>> -> memref<4x50x128xf32, #tpu.memory_space<vmem>>
      tpu.enqueue_dma source(%dma_start3A_544 : memref<4x50x128xf32, #tpu.memory_space<vmem>>) target(%dma_start3A_539 : memref<4x50x128xf32, #tpu.memory_space<hbm>>) target_semaphore(%arg10 : memref<!tpu.dma_semaphore, #tpu.memory_space<semaphore_mem>>)
    }
    %scan3A_221 = arith.constant 63 : i32
    %dma_wait3A_222 = arith.constant 0 : i32
    %dma_wait3A_223 = arith.constant 0 : i32
    %dma_wait3A_224 = arith.constant 0 : i32
    %dma_wait3A_225 = arith.constant 0 : i32
    %dma_wait3A_226 = tpu.memref_slice %arg6[%dma_wait3A_222, %dma_wait3A_223, %dma_wait3A_224, %dma_wait3A_225] : memref<2x4x56x128xf32, #tpu.memory_space<vmem>> -> memref<1x4x50x128xf32, #tpu.memory_space<vmem>>
    %dma_wait3A_227 = tpu.memref_squeeze %dma_wait3A_226 : memref<1x4x50x128xf32, #tpu.memory_space<vmem>> -> memref<4x50x128xf32, #tpu.memory_space<vmem>>
    %dma_wait3A_228 = arith.constant 0 : i32
    %dma_wait3A_229 = arith.constant 0 : i32
    %dma_wait3A_230 = tpu.memref_slice %arg4[%mul3A_2, %dma_wait3A_228, %dma_wait3A_229] : memref<16384x50x128xf32, #tpu.memory_space<hbm>> -> memref<4x50x128xf32, #tpu.memory_space<hbm>>
    %dma_wait3A_231 = arith.constant 0 : i32
    %dma_wait3A_232 = arith.constant 0 : i32
    %dma_wait3A_233 = tpu.memref_slice %arg4[%mul3A_2, %dma_wait3A_231, %dma_wait3A_232] : memref<16384x50x128xf32, #tpu.memory_space<hbm>> -> memref<4x50x128xf32, #tpu.memory_space<hbm>>
    %dma_wait3A_234 = arith.constant 0 : i32
    %dma_wait3A_235 = arith.constant 0 : i32
    %dma_wait3A_236 = arith.constant 0 : i32
    %dma_wait3A_237 = tpu.memref_slice %arg6[%dma_wait3A_222, %dma_wait3A_234, %dma_wait3A_235, %dma_wait3A_236] : memref<2x4x56x128xf32, #tpu.memory_space<vmem>> -> memref<1x4x50x128xf32, #tpu.memory_space<vmem>>
    %dma_wait3A_238 = tpu.memref_squeeze %dma_wait3A_237 : memref<1x4x50x128xf32, #tpu.memory_space<vmem>> -> memref<4x50x128xf32, #tpu.memory_space<vmem>>
    tpu.wait_dma2 semaphore(%arg9 : memref<!tpu.dma_semaphore, #tpu.memory_space<semaphore_mem>>) src(%dma_wait3A_238 : memref<4x50x128xf32, #tpu.memory_space<vmem>>) dst(%dma_wait3A_233 : memref<4x50x128xf32, #tpu.memory_space<hbm>>)
    %dma_wait3A_239 = arith.constant 1 : i32
    %dma_wait3A_240 = arith.constant 0 : i32
    %dma_wait3A_241 = arith.constant 0 : i32
    %dma_wait3A_242 = arith.constant 0 : i32
    %dma_wait3A_243 = tpu.memref_slice %arg6[%dma_wait3A_239, %dma_wait3A_240, %dma_wait3A_241, %dma_wait3A_242] : memref<2x4x56x128xf32, #tpu.memory_space<vmem>> -> memref<1x4x50x128xf32, #tpu.memory_space<vmem>>
    %dma_wait3A_244 = tpu.memref_squeeze %dma_wait3A_243 : memref<1x4x50x128xf32, #tpu.memory_space<vmem>> -> memref<4x50x128xf32, #tpu.memory_space<vmem>>
    %dma_wait3A_245 = arith.constant 0 : i32
    %dma_wait3A_246 = arith.constant 0 : i32
    %dma_wait3A_247 = tpu.memref_slice %arg4[%mul3A_2, %dma_wait3A_245, %dma_wait3A_246] : memref<16384x50x128xf32, #tpu.memory_space<hbm>> -> memref<4x50x128xf32, #tpu.memory_space<hbm>>
    %dma_wait3A_248 = arith.constant 0 : i32
    %dma_wait3A_249 = arith.constant 0 : i32
    %dma_wait3A_250 = tpu.memref_slice %arg4[%mul3A_2, %dma_wait3A_248, %dma_wait3A_249] : memref<16384x50x128xf32, #tpu.memory_space<hbm>> -> memref<4x50x128xf32, #tpu.memory_space<hbm>>
    %dma_wait3A_251 = arith.constant 0 : i32
    %dma_wait3A_252 = arith.constant 0 : i32
    %dma_wait3A_253 = arith.constant 0 : i32
    %dma_wait3A_254 = tpu.memref_slice %arg6[%dma_wait3A_239, %dma_wait3A_251, %dma_wait3A_252, %dma_wait3A_253] : memref<2x4x56x128xf32, #tpu.memory_space<vmem>> -> memref<1x4x50x128xf32, #tpu.memory_space<vmem>>
    %dma_wait3A_255 = tpu.memref_squeeze %dma_wait3A_254 : memref<1x4x50x128xf32, #tpu.memory_space<vmem>> -> memref<4x50x128xf32, #tpu.memory_space<vmem>>
    tpu.wait_dma2 semaphore(%arg10 : memref<!tpu.dma_semaphore, #tpu.memory_space<semaphore_mem>>) src(%dma_wait3A_255 : memref<4x50x128xf32, #tpu.memory_space<vmem>>) dst(%dma_wait3A_250 : memref<4x50x128xf32, #tpu.memory_space<hbm>>)
    return
  }
}

</mosaic_0001>

<sc_bundles>
// kernel: kernel.3.cloned.1.call-start
scs
__scs_entry_jumppad:
0x0: {  	(pc) =	sbr.rel $0x88, $3  }
0x1: {  	(tag) =	ssettag $0x0;
	lr =	simm.s32 $0x1  }
0x2: {  	[smem:$0x3F9F] =	sst lr;
	_ =	strace $0xD0000000  }
0x3: {  	_ = 	snop  }
0x4: {  	_ = 	snop  }
0x5: {  	_ = 	snop  }
0x6: {  	_ = 	snop  }
0x7: {  	_ = 	snop  }
__scs_overlays_trampoline_lowered:
0x8: {  	[smem:$0x3FAE] =	sst s0  }
0x9: {  	[smem:$0x3FAF] =	sst s1  }
0xa: {  	[smem:$0x3FB0] =	sst s2  }
0xb: {  	[smem:$0x3FB1] =	sst s3  }
0xc: {  	[smem:$0x3FB2] =	sst s4  }
0xd: {  	[smem:$0x3FB3] =	sst s5  }
0xe: {  	[smem:$0x3FB4] =	sst s6  }
0xf: {  	[smem:$0x3FB5] =	sst s7  }
0x10: {  	[smem:$0x3FB6] =	sst s8  }
0x11: {  	[smem:$0x3FB7] =	sst s9;
	s0 =	simm.s32 @!p0 $0x0  }
0x12: {  	s1 =	sld [smem:$0x3F9D];
	s0 =	simm.s32 @p0 $0x1  }
0x13: {  	[smem:$0x3FB8] =	sst s0;
	s0 =	simm.s32 @!p1 $0x0  }
0x14: {  	s2 =	sld [smem:$0x3F9C];
	s0 =	simm.s32 @p1 $0x1  }
0x15: {  	[smem:$0x3FB9] =	sst s0;
	s0 =	simm.s32 @!p2 $0x0  }
0x16: {  	s3 =	sld [smem:$0x3FDB];
	s0 =	simm.s32 @p2 $0x1  }
0x17: {  	s4 =	simm.s32 $0x1BF5;
	[smem:$0x3FBB] =	sst s0  }
0x18: {  	s0 =	sld [smem:$0x3F9E];
	_ =	swait.ge [sflag:s4], $0x0  }
0x19: {  	s7 =	sld [smem:$0x3F9F]  }
0x1a: {  	s8 =	sadd.s32 $0xFFFFE003, lr  }
0x1b: {  	s9 =	sadd.s32 $0xFFFFFEF7, lr;
	s5 =	simm.s32 $0xFFFFFFFF;
	p2 =	slt.u32 s8, $0xFFFFF086  }
0x1c: {  	p1 =	slt.u32 s9, $0xF7A;
	s5 =	simm.s32 @!p2 $0x0  }
0x1d: {  	s5 =	simm.s32 @p1 $0x1;
	p0 =	seq.s32 s7, s2  }
0x1e: {  	s7 =	smul.u32 @!p0 $0xF7A, s2;
	p2 =	seq.s32 @!p0 s5, $0x0  }
0x1f: {  	s9 =	smul.u32 $0xF7A, s1;
	s8 =	simm.s32 @!p0 $0x1BF5;
	p2 =	por !p2, p0  }
0x20: {  	[sflag:s8] =	ssyncset.s32 @!p0 $0xFFFFF086;
	s6 =	sadd.s32 @!p0 s3, s7;
	s7 =	simm.s32 @!p0 $0x108  }
0x21: {  	s3 =	sadd.s32 s3, s9;
	s6 =	sadd.s32 @!p0 $0x88, s6;
	s7 =	simm.s32 @p2 $0x1082  }
0x22: {  	[simem:s7], [sflag:s8] =	dma.local @!p0 [hbm:s6], $0xF7A  }
0x23: {  	s9 =	sor.u32 $0xD0000000, s2;
	s6 =	simm.s32 $0x108;
	_ =	swait.ge @!p0 [sflag:s8], $0x0  }
0x24: {  	s3 =	sadd.s32 $0x88, s3;
	s6 =	simm.s32 @!p1 $0x1082;
	[sflag:s4] =	ssyncset.s32 $0xFFFFF086  }
0x25: {  	[simem:s6], [sflag:s4] =	dma.local [hbm:s3], $0xF7A  }
0x26: {  	[smem:$0x3F9F] =	sst s1;
	(tag) =	ssettag s2;
	_ =	strace s9  }
0x27: {  	s1 =	sld [smem:$0x3FAF]  }
0x28: {  	s2 =	sld [smem:$0x3FB0]  }
0x29: {  	s4 =	sld [smem:$0x3FB2]  }
0x2a: {  	p0 =	seq.s32 s5, $0x0;
	s5 =	sld [smem:$0x3FB3]  }
0x2b: {  	s6 =	sld [smem:$0x3FB4]  }
0x2c: {  	s7 =	sld [smem:$0x3FB5]  }
0x2d: {  	s3 =	simm.s32 $0x108;
	s8 =	sld [smem:$0x3FB6]  }
0x2e: {  	s3 =	simm.s32 @!p0 $0x1082;
	s9 =	sld [smem:$0x3FB7]  }
0x2f: {  	lr =	sadd.s32 s0, s3;
	s0 =	sld [smem:$0x3FAE]  }
0x30: {  	s3 =	sld [smem:$0x3FB1]  }
0x31: {  	[smem:$0x3FBA] =	sst s10  }
0x32: {  	s10 =	sld [smem:$0x3FB8];
	_ =	sdelay $0x3  }
0x33: {  	p0 =	seq.s32 s10, $0x1;
	s10 =	sld [smem:$0x3FBA];
	_ =	sdelay $0x3  }
0x34: {  	[smem:$0x3FBA] =	sst s10  }
0x35: {  	s10 =	sld [smem:$0x3FB9];
	_ =	sdelay $0x3  }
0x36: {  	p1 =	seq.s32 s10, $0x1;
	s10 =	sld [smem:$0x3FBA];
	_ =	sdelay $0x3  }
0x37: {  	[smem:$0x3FBA] =	sst s10  }
0x38: {  	s10 =	sld [smem:$0x3FBB]  }
0x39: {  	_ = 	snop;
	(pc) =	sbr.ind lr, $3  }
0x3a: {  	_ = 	snop  }
0x3b: {  	_ = 	snop  }
0x3c: {  	p2 =	seq.s32 s10, $0x1;
	s10 =	sld [smem:$0x3FBA]  }
0x3d: {  	_ =	shalt  }
0x3e: {  	_ =	shalt  }
0x3f: {  	_ =	shalt  }
0x40: {  	_ =	shalt  }
0x41: {  	_ =	shalt  }
0x42: {  	_ =	shalt  }
0x43: {  	_ =	shalt  }
0x44: {  	_ =	shalt  }
0x45: {  	_ =	shalt  }
0x46: {  	_ =	shalt  }
0x47: {  	_ =	shalt  }
0x48: {  	_ =	shalt  }
0x49: {  	_ =	shalt  }
0x4a: {  	_ =	shalt  }
0x4b: {  	_ =	shalt  }
0x4c: {  	_ =	shalt  }
0x4d: {  	_ =	shalt  }
0x4e: {  	_ =	shalt  }
0x4f: {  	_ =	shalt  }
0x50: {  	_ =	shalt  }
0x51: {  	_ =	shalt  }
0x52: {  	_ =	shalt  }
0x53: {  	_ =	shalt  }
0x54: {  	_ =	shalt  }
0x55: {  	_ =	shalt  }
0x56: {  	_ =	shalt  }
0x57: {  	_ =	shalt  }
0x58: {  	_ =	shalt  }
0x59: {  	_ =	shalt  }
0x5a: {  	_ =	shalt  }
0x5b: {  	_ =	shalt  }
0x5c: {  	_ =	shalt  }
0x5d: {  	_ =	shalt  }
0x5e: {  	_ =	shalt  }
0x5f: {  	_ =	shalt  }
0x60: {  	_ =	shalt  }
0x61: {  	_ =	shalt  }
0x62: {  	_ =	shalt  }
0x63: {  	_ =	shalt  }
0x64: {  	_ =	shalt  }
0x65: {  	_ =	shalt  }
0x66: {  	_ =	shalt  }
0x67: {  	_ =	shalt  }
0x68: {  	_ =	shalt  }
0x69: {  	_ =	shalt  }
0x6a: {  	_ =	shalt  }
0x6b: {  	_ =	shalt  }
0x6c: {  	_ =	shalt  }
0x6d: {  	_ =	shalt  }
0x6e: {  	_ =	shalt  }
0x6f: {  	_ =	shalt  }
0x70: {  	_ =	shalt  }
0x71: {  	_ =	shalt  }
0x72: {  	_ =	shalt  }
0x73: {  	_ =	shalt  }
0x74: {  	_ =	shalt  }
0x75: {  	_ =	shalt  }
0x76: {  	_ =	shalt  }
0x77: {  	_ =	shalt  }
0x78: {  	_ =	shalt  }
0x79: {  	_ =	shalt  }
0x7a: {  	_ =	shalt  }
0x7b: {  	_ =	shalt  }
0x7c: {  	_ =	shalt  }
0x7d: {  	_ =	shalt  }
0x7e: {  	_ =	shalt  }
0x7f: {  	_ =	shalt  }
0x80: {  	_ =	shalt  }
0x81: {  	_ =	shalt  }
0x82: {  	_ =	shalt  }
0x83: {  	_ =	shalt  }
0x84: {  	_ =	shalt  }
0x85: {  	_ =	shalt  }
0x86: {  	_ =	shalt  }
0x87: {  	_ =	shalt  }
.Lfunc_end0:
.L_simem_size_0:
called_computation_lowered:
.L_overlay_start_0:
0x88: {  	s2 =	sld [smem:$0x3FD9]  }
0x89: {  	s3 =	sld [smem:$0x3FFE];
	_ =	sdelay $0x1  }
0x8a: {  	s1 =	srdreg.scid  }
0x8b: {  	s0 =	sand.u32 $0x1, s1  }
0x8c: {  	s17 =	sshll.u32 s0, $0xA;
	s2 =	sadd.s32 s3, s2  }
0x8d: {  	s2 =	sadd.s32 s2, s17  }
0x8e: {  	[smem:$0x3FC6] =	sst s2  }
0x8f: {  	_ = 	snop  }
0x90: {  	s2 =	sld [smem:$0x3FC8]  }
0x91: {  	s18 =	sld [smem:$0x3FD0];
	(tm) =	ssettm $0x1  }
0x92: {  	s4 =	sld [smem:$0x3FFB];
	_ =	sdelay $0x3  }
0x93: {  	_ =	strace s4  }
0x94: {  	s4 =	sld [smem:$0x3FFC];
	_ =	sdelay $0x3  }
0x95: {  	_ =	strace s4  }
0x96: {  	s4 =	sld [smem:$0x3FFD];
	_ =	sdelay $0x3  }
0x97: {  	_ =	strace s4  }
0x98: {  	_ =	strace $0x8FFFFFFF  }
0x99: {  	s19 =	sld [smem:$0x3FDB];
	_ =	sdelay $0x1  }
0x9a: {  	s5 =	simm.s32 $_scs_section_size  }
0x9b: {  	s6 =	simm.s32 $_size__tile_overlayer_lowered;
	s7 =	simm.s32 $_tile_overlayer_lowered  }
0x9c: {  	s22 =	simm.s32 $0x1BFF;
	s21 =	sshll.u32 s7, $0x1;
	s4 =	sadd.s32 s5, s19  }
0x9d: {  	s8 =	simm.s32 $0x0;
	s20 =	sshll.u32 s6, $0x1;
	s6 =	sadd.s32 s21, s4  }
0x9e: {  	[timem:s8], [sflag:s22] =	dma.local [hbm:s6], s20  }
0x9f: {  	_ =	swait.ge [sflag:s22], s20  }
0xa0: {  	s5 =	ssub.s32 $0x0, s20;
	[sflag:s22] =	ssyncset.done $0x0  }
0xa1: {  	[sflag:s22] =	ssyncadd.s32 s5;
	_ =	sdelay $0x1  }
0xa2: {  	s23 =	simm.s32 $0x1B8B  }
0xa3: {  	_ =	swait.ge [sflag:s23], $0x1  }
0xa4: {  	[sflag:s23] =	ssyncset.done $0x0  }
0xa5: {  	s25 =	simm.s32 $0x1B8E;
	s24 =	sld [smem:$0x3FFE];
	[sflag:s23] =	ssyncadd.s32 $0xFFFFFFFF  }
0xa6: {  	s26 =	simm.s32 $execute0_lowered;
	[smem:$0x3FD2] =	sst s25  }
0xa7: {  	s6 =	sshll.u32 s26, $0x1;
	_ =	strace $0x80000046;
	[dreg:$0x1] =	wrdreg $0xFFFFFFFF  }
0xa8: {  	s28 =	simm.s32 $_size_execute0_lowered;
	s4 =	sadd.s32 s4, s6;
	[dreg:$0x0] =	wrdreg $0x0  }
0xa9: {  	s6 =	sshll.u32 s28, $0x1;
	[dreg:$0x2] =	wrdreg s4  }
0xaa: {  	[dreg:$0x3] =	wrdreg s6  }
0xab: {  	[dreg:$0x4] =	wrdreg $0xC0  }
0xac: {  	_ =	task [dreg:s8], $0x5FFFF  }
0xad: {  	[dreg:$0x1] =	wrdreg $0xFFFFFFFF  }
0xae: {  	[dreg:$0x0] =	wrdreg $0x60  }
0xaf: {  	[dreg:$0x2] =	wrdreg s18  }
0xb0: {  	[dreg:$0x3] =	wrdreg s2  }
0xb1: {  	[dreg:$0x4] =	wrdreg s24  }
0xb2: {  	[dreg:$0x5] =	wrdreg $0x9  }
0xb3: {  	_ =	task.clear_ibuf [dreg:s8], $0x6FFFF;
	_ =	strace $0x90000046  }
0xb4: {  	s29 =	simm.s32 $0x9;
	_ =	strace $0x80000048  }
0xb5: {  	_ =	swait.ge [sflag:s29], $0x1  }
0xb6: {  	[sflag:s29] =	ssyncadd.s32 $0xFFFFFFFF  }
0xb7: {  	_ =	strace $0x90000048  }
0xb8: {  	_ =	sfence  }
0xb9: {  	s30 =	sld [smem:$0x0];
	_ =	sdelay $0x2  }
0xba: {  	s31 =	sshll.u32 s1, $0xD;
	s1 =	sshrl.u32 s1, $0x2  }
0xbb: {  	s3 =	sand.u32 $0x4000, s31;
	s1 =	sadd.s32 s1, s30  }
0xbc: {  	s0 =	sor.u32 s3, s0;
	s1 =	sshll.u32 s1, $0x11  }
0xbd: {  	s0 =	sor.u32 s1, s0  }
0xbe: {  	s0 =	sadd.s32 $0x8F2B, s0  }
0xbf: {  	[sflag:s0] =	ssyncadd.remote.s32 $0x1  }
0xc0: {  	_ =	sfence.sel $0xFFFF  }
0xc1: {  	[dreg:$0x0] =	wrdreg $0xFFFFFFFF;
	(pc) =	sbr.abs _section_cstart, $3  }
0xc2: {  	[dreg:$0x1] =	wrdreg $0xFFFFFFFF  }
0xc3: {  	_ =	task.clear_ibuf [dreg:s8], $0x2FFFF;
	_ =	strace $0x9FFFFFFF  }
0xc4: {  	(tm) =	ssettm $0x7FFFFFFF  }
0xc5: {  	_ =	shalt  }
tec
execute0_lowered:
.L_overlay_start_1:
0x0: {  	(tag) =	ssettag $0x1  }
0x1: {  	s0 =	srdreg.scid;
	s1 =	rddreg [dreg:$0x0]  }
0x2: {  	s2 =	rddreg [dreg:$0x1];
	s9 =	stileid.u32  }
0x3: {  	s4 =	rddreg [dreg:$0x2];
	s10 =	simm.s32 $0x38;
	s11 =	simm.s32 $0x7000  }
0x4: {  	s12 =	simm.s32 $0x8C00;
	s14 =	simm.s32 $0xA800;
	s16 =	simm.s32 $0xC400  }
0x5: {  	s17 =	simm.s32 $0xE0;
	s18 =	simm.s32 $0xE000;
	s19 =	simm.s32 $0x118  }
0x6: {  	s20 =	simm.s32 $0xFC00;
	s21 =	simm.s32 $0x150;
	s22 =	simm.s32 $0x11800  }
0x7: {  	s23 =	simm.s32 $0x188;
	s24 =	simm.s32 $0x13400;
	s25 =	simm.s32 $0x1  }
0x8: {  	s28 =	simm.s32 $0x2;
	s29 =	simm.s32 $0x3;
	s30 =	simm.s32 $0x4  }
0x9: {  	s31 =	simm.s32 $0x0;
	s0 =	sand.u32 $0x1, s0;
	s8 =	sadd.s32 $0x400, s4  }
0xa: {  	s3 =	sshll.u32 s0, $0x4;
	s7 =	ssub.s32 $0x2, s0;
	s0 =	smul.u32 $0x700000, s0  }
0xb: {  	s5 =	sor.u32 s9, s3;
	s3 =	simm.s32 $0x0;
	s9 =	smul.u32 $0x70000, s9  }
0xc: {  	s26 =	sshrl.u32 s7, $0x1;
	s6 =	smul.u32 $0xE00, s5;
	[smem:$0x7FF] =	sst s3  }
0xd: {  	s5 =	smul.u32 $0x70000, s5;
	s7 =	ssub.s32 s7, s26;
	s0 =	sadd.s32 s0, s8  }
0xe: {  	_ =	strace $0x80000047;
	s0 =	sadd.s32 s9, s0;
	s7 =	smax.u32 s7, $0x1  }
0xf: {  	s9 =	simm.s32 $0x5;
	s4 =	sadd.s32 s8, s5;
	s5 =	sadd.s32 s1, s6  }
0x10: {  	s8 =	sadd.s32 $0x1C00, s0;
	s6 =	sadd.s32 $0xE00, s4;
	s26 =	sadd.s32 $0x380, s4  }
.LBB2_1:
0x11: {  	[tilespmem:s3], [sflag:$0x5] =	stream.linear.gather [hbm4b:s5+s3], $0x7000, $0x38;
	[tilespmem:$0x15000] =	vst v63  }
0x12: {  	_ =	swait.ge [sflag:s9], $0x7000  }
0x13: {  	[sflag:s9] =	ssyncset.done $0x0  }
0x14: {  	[sflag:s9] =	ssyncadd.s32 $0xFFFF9000  }
0x15: {  	[tilespmem:s11], [sflag:$0x1] =	stream.indirect.gather [hbm4b:s2+s10], $0x80, s3, s10, $0xb8;
	[tilespmem:$0x15000] =	vst v63  }
0x16: {  	_ = 	snop  }
0x17: {  	[tilespmem:s12], [sflag:$0x1] =	stream.indirect.gather [hbm4b:s2+s10], $0x80, s10, s10, $0xb8;
	[tilespmem:$0x15000] =	vst v63  }
0x18: {  	s0 =	simm.s32 $0x70  }
0x19: {  	[tilespmem:s14], [sflag:$0x1] =	stream.indirect.gather [hbm4b:s2+s10], $0x80, s0, s10, $0xb8;
	[tilespmem:$0x15000] =	vst v63  }
0x1a: {  	s13 =	simm.s32 $0xA8  }
0x1b: {  	[tilespmem:s16], [sflag:$0x1] =	stream.indirect.gather [hbm4b:s2+s10], $0x80, s13, s10, $0xb8;
	[tilespmem:$0x15000] =	vst v63  }
0x1c: {  	_ = 	snop  }
0x1d: {  	[tilespmem:s18], [sflag:$0x2] =	stream.indirect.gather [hbm4b:s2+s10], $0x80, s17, s10, $0xb8;
	[tilespmem:$0x15000] =	vst v63  }
0x1e: {  	_ = 	snop  }
0x1f: {  	[tilespmem:s20], [sflag:$0x2] =	stream.indirect.gather [hbm4b:s2+s10], $0x80, s19, s10, $0xb8;
	[tilespmem:$0x15000] =	vst v63  }
0x20: {  	_ = 	snop  }
0x21: {  	[tilespmem:s22], [sflag:$0x2] =	stream.indirect.gather [hbm4b:s2+s10], $0x80, s21, s10, $0xb8;
	[tilespmem:$0x15000] =	vst v63  }
0x22: {  	_ = 	snop  }
0x23: {  	[tilespmem:s24], [sflag:$0x2] =	stream.indirect.gather [hbm4b:s2+s10], $0x80, s23, s10, $0xb8;
	[tilespmem:$0x15000] =	vst v63  }
0x24: {  	_ =	swait.ge [sflag:s25], $0x1C00  }
0x25: {  	[sflag:s25] =	ssyncset.done $0x0  }
0x26: {  	[sflag:s25] =	ssyncadd.s32 $0xFFFFE400  }
0x27: {  	_ =	swait.ge [sflag:s25], $0x1C00  }
0x28: {  	[sflag:s25] =	ssyncset.done $0x0  }
0x29: {  	[sflag:s25] =	ssyncadd.s32 $0xFFFFE400  }
0x2a: {  	_ =	swait.ge [sflag:s25], $0x1C00  }
0x2b: {  	[sflag:s25] =	ssyncset.done $0x0  }
0x2c: {  	[sflag:s25] =	ssyncadd.s32 $0xFFFFE400  }
0x2d: {  	_ =	swait.ge [sflag:s25], $0x1C00  }
0x2e: {  	[sflag:s25] =	ssyncset.done $0x0  }
0x2f: {  	[sflag:s25] =	ssyncadd.s32 $0xFFFFE400  }
0x30: {  	[hbm4b:s4+s3] =	stream.linear.scatter [tilespmem:s11], [sflag:$0x3], $0x1900, $0x38;
	[tilespmem:$0x15000] =	vst v63  }
0x31: {  	_ = 	snop  }
0x32: {  	[hbm4b:s26+s3] =	stream.linear.scatter [tilespmem:s12], [sflag:$0x3], $0x1900, $0x38;
	[tilespmem:$0x15000] =	vst v63  }
0x33: {  	s15 =	sadd.s32 $0x700, s4  }
0x34: {  	[hbm4b:s15+s3] =	stream.linear.scatter [tilespmem:s14], [sflag:$0x3], $0x1900, $0x38;
	[tilespmem:$0x15000] =	vst v63  }
0x35: {  	s1 =	sadd.s32 $0xA80, s4  }
0x36: {  	[hbm4b:s1+s3] =	stream.linear.scatter [tilespmem:s16], [sflag:$0x3], $0x1900, $0x38;
	[tilespmem:$0x15000] =	vst v63  }
0x37: {  	_ =	swait.ge [sflag:s28], $0x1C00  }
0x38: {  	[sflag:s28] =	ssyncset.done $0x0  }
0x39: {  	[sflag:s28] =	ssyncadd.s32 $0xFFFFE400  }
0x3a: {  	_ =	swait.ge [sflag:s28], $0x1C00  }
0x3b: {  	[sflag:s28] =	ssyncset.done $0x0  }
0x3c: {  	[sflag:s28] =	ssyncadd.s32 $0xFFFFE400  }
0x3d: {  	_ =	swait.ge [sflag:s28], $0x1C00  }
0x3e: {  	[sflag:s28] =	ssyncset.done $0x0  }
0x3f: {  	[sflag:s28] =	ssyncadd.s32 $0xFFFFE400  }
0x40: {  	_ =	swait.ge [sflag:s28], $0x1C00  }
0x41: {  	[sflag:s28] =	ssyncset.done $0x0  }
0x42: {  	[sflag:s28] =	ssyncadd.s32 $0xFFFFE400  }
0x43: {  	[hbm4b:s6+s3] =	stream.linear.scatter [tilespmem:s18], [sflag:$0x4], $0x1900, $0x38;
	[tilespmem:$0x15000] =	vst v63  }
0x44: {  	s13 =	sadd.s32 $0x380, s6  }
0x45: {  	[hbm4b:s13+s3] =	stream.linear.scatter [tilespmem:s20], [sflag:$0x4], $0x1900, $0x38;
	[tilespmem:$0x15000] =	vst v63  }
0x46: {  	s15 =	sadd.s32 $0x700, s6  }
0x47: {  	[hbm4b:s15+s3] =	stream.linear.scatter [tilespmem:s22], [sflag:$0x4], $0x1900, $0x38;
	[tilespmem:$0x15000] =	vst v63  }
0x48: {  	s1 =	sadd.s32 $0xA80, s6  }
0x49: {  	[hbm4b:s1+s3] =	stream.linear.scatter [tilespmem:s24], [sflag:$0x4], $0x1900, $0x38;
	[tilespmem:$0x15000] =	vst v63  }
0x4a: {  	_ =	swait.ge [sflag:s29], $0x6400  }
0x4b: {  	[sflag:s29] =	ssyncset.done $0x0  }
0x4c: {  	s13 =	simm.s32 $0x1C0;
	[sflag:s29] =	ssyncadd.s32 $0xFFFF9C00  }
0x4d: {  	[tilespmem:s11], [sflag:$0x1] =	stream.indirect.gather [hbm4b:s2+s10], $0x80, s13, s10, $0xb8;
	[tilespmem:$0x15000] =	vst v63  }
0x4e: {  	s15 =	simm.s32 $0x1F8  }
0x4f: {  	[tilespmem:s12], [sflag:$0x1] =	stream.indirect.gather [hbm4b:s2+s10], $0x80, s15, s10, $0xb8;
	[tilespmem:$0x15000] =	vst v63  }
0x50: {  	s1 =	simm.s32 $0x230  }
0x51: {  	[tilespmem:s14], [sflag:$0x1] =	stream.indirect.gather [hbm4b:s2+s10], $0x80, s1, s10, $0xb8;
	[tilespmem:$0x15000] =	vst v63  }
0x52: {  	s13 =	simm.s32 $0x268  }
0x53: {  	[tilespmem:s16], [sflag:$0x1] =	stream.indirect.gather [hbm4b:s2+s10], $0x80, s13, s10, $0xb8;
	[tilespmem:$0x15000] =	vst v63  }
0x54: {  	_ =	swait.ge [sflag:s30], $0x6400  }
0x55: {  	[sflag:s30] =	ssyncset.done $0x0  }
0x56: {  	s15 =	simm.s32 $0x2A0;
	[sflag:s30] =	ssyncadd.s32 $0xFFFF9C00  }
0x57: {  	[tilespmem:s18], [sflag:$0x2] =	stream.indirect.gather [hbm4b:s2+s10], $0x80, s15, s10, $0xb8;
	[tilespmem:$0x15000] =	vst v63  }
0x58: {  	s1 =	simm.s32 $0x2D8  }
0x59: {  	[tilespmem:s20], [sflag:$0x2] =	stream.indirect.gather [hbm4b:s2+s10], $0x80, s1, s10, $0xb8;
	[tilespmem:$0x15000] =	vst v63  }
0x5a: {  	s13 =	simm.s32 $0x310  }
0x5b: {  	[tilespmem:s22], [sflag:$0x2] =	stream.indirect.gather [hbm4b:s2+s10], $0x80, s13, s10, $0xb8;
	[tilespmem:$0x15000] =	vst v63  }
0x5c: {  	s15 =	simm.s32 $0x348  }
0x5d: {  	[tilespmem:s24], [sflag:$0x2] =	stream.indirect.gather [hbm4b:s2+s10], $0x80, s15, s10, $0xb8;
	[tilespmem:$0x15000] =	vst v63  }
0x5e: {  	_ =	swait.ge [sflag:s25], $0x1C00  }
0x5f: {  	[sflag:s25] =	ssyncset.done $0x0  }
0x60: {  	[sflag:s25] =	ssyncadd.s32 $0xFFFFE400  }
0x61: {  	_ =	swait.ge [sflag:s25], $0x1C00  }
0x62: {  	[sflag:s25] =	ssyncset.done $0x0  }
0x63: {  	[sflag:s25] =	ssyncadd.s32 $0xFFFFE400  }
0x64: {  	_ =	swait.ge [sflag:s25], $0x1C00  }
0x65: {  	[sflag:s25] =	ssyncset.done $0x0  }
0x66: {  	[sflag:s25] =	ssyncadd.s32 $0xFFFFE400  }
0x67: {  	_ =	swait.ge [sflag:s25], $0x1C00  }
0x68: {  	[sflag:s25] =	ssyncset.done $0x0  }
0x69: {  	[sflag:s25] =	ssyncadd.s32 $0xFFFFE400  }
0x6a: {  	[hbm4b:s8+s3] =	stream.linear.scatter [tilespmem:s11], [sflag:$0x3], $0x1900, $0x38;
	[tilespmem:$0x15000] =	vst v63  }
0x6b: {  	s1 =	sadd.s32 $0x380, s8  }
0x6c: {  	[hbm4b:s1+s3] =	stream.linear.scatter [tilespmem:s12], [sflag:$0x3], $0x1900, $0x38;
	[tilespmem:$0x15000] =	vst v63  }
0x6d: {  	s13 =	sadd.s32 $0x700, s8  }
0x6e: {  	[hbm4b:s13+s3] =	stream.linear.scatter [tilespmem:s14], [sflag:$0x3], $0x1900, $0x38;
	[tilespmem:$0x15000] =	vst v63  }
0x6f: {  	s15 =	sadd.s32 $0xA80, s8  }
0x70: {  	[hbm4b:s15+s3] =	stream.linear.scatter [tilespmem:s16], [sflag:$0x3], $0x1900, $0x38;
	[tilespmem:$0x15000] =	vst v63  }
0x71: {  	_ =	swait.ge [sflag:s28], $0x1C00  }
0x72: {  	[sflag:s28] =	ssyncset.done $0x0  }
0x73: {  	[sflag:s28] =	ssyncadd.s32 $0xFFFFE400  }
0x74: {  	_ =	swait.ge [sflag:s28], $0x1C00  }
0x75: {  	[sflag:s28] =	ssyncset.done $0x0  }
0x76: {  	[sflag:s28] =	ssyncadd.s32 $0xFFFFE400  }
0x77: {  	_ =	swait.ge [sflag:s28], $0x1C00  }
0x78: {  	[sflag:s28] =	ssyncset.done $0x0  }
0x79: {  	[sflag:s28] =	ssyncadd.s32 $0xFFFFE400  }
0x7a: {  	_ =	swait.ge [sflag:s28], $0x1C00  }
0x7b: {  	[sflag:s28] =	ssyncset.done $0x0  }
0x7c: {  	s1 =	sadd.s32 $0xE00, s8;
	[sflag:s28] =	ssyncadd.s32 $0xFFFFE400  }
0x7d: {  	[hbm4b:s1+s3] =	stream.linear.scatter [tilespmem:s18], [sflag:$0x4], $0x1900, $0x38;
	[tilespmem:$0x15000] =	vst v63  }
0x7e: {  	s0 =	sadd.s32 $0x1C00, s8;
	s13 =	sadd.s32 $0x1180, s8  }
0x7f: {  	[hbm4b:s13+s3] =	stream.linear.scatter [tilespmem:s20], [sflag:$0x4], $0x1900, $0x38;
	[tilespmem:$0x15000] =	vst v63  }
0x80: {  	s15 =	sadd.s32 $0x1500, s8;
	s1 =	simm.s32 $0x700;
	s13 =	sadd.s32 $0x1880, s8  }
0x81: {  	[hbm4b:s15+s3] =	stream.linear.scatter [tilespmem:s22], [sflag:$0x4], $0x1900, $0x38;
	[tilespmem:$0x15000] =	vst v63  }
.LBB2_2:
0x82: {  	[hbm4b:s13+s3] =	stream.linear.scatter [tilespmem:s24], [sflag:$0x4], $0x1900, $0x38;
	[tilespmem:$0x15000] =	vst v63  }
0x83: {  	s13 =	smov.u32 s1  }
0x84: {  	p0 =	sne.s32 s1, $0x1B200;
	s1 =	sadd.s32 $0x700, s1;
	_ =	swait.ge [sflag:s29], $0x6400  }
0x85: {  	s13 =	sshra.s32 s13, $0x2;
	[sflag:s29] =	ssyncset.done $0x0  }
0x86: {  	s15 =	sadd.s32 $0x1C0, s13;
	[sflag:s29] =	ssyncadd.s32 $0xFFFF9C00  }
0x87: {  	[tilespmem:s11], [sflag:$0x1] =	stream.indirect.gather [hbm4b:s2+s10], $0x80, s15, s10, $0xb8;
	[tilespmem:$0x15000] =	vst v63  }
0x88: {  	s15 =	sadd.s32 $0x1F8, s13  }
0x89: {  	[tilespmem:s12], [sflag:$0x1] =	stream.indirect.gather [hbm4b:s2+s10], $0x80, s15, s10, $0xb8;
	[tilespmem:$0x15000] =	vst v63  }
0x8a: {  	s15 =	sadd.s32 $0x230, s13  }
0x8b: {  	[tilespmem:s14], [sflag:$0x1] =	stream.indirect.gather [hbm4b:s2+s10], $0x80, s15, s10, $0xb8;
	[tilespmem:$0x15000] =	vst v63  }
0x8c: {  	s15 =	sadd.s32 $0x268, s13  }
0x8d: {  	[tilespmem:s16], [sflag:$0x1] =	stream.indirect.gather [hbm4b:s2+s10], $0x80, s15, s10, $0xb8;
	[tilespmem:$0x15000] =	vst v63  }
0x8e: {  	_ =	swait.ge [sflag:s30], $0x6400  }
0x8f: {  	[sflag:s30] =	ssyncset.done $0x0  }
0x90: {  	s15 =	sadd.s32 $0x2A0, s13;
	[sflag:s30] =	ssyncadd.s32 $0xFFFF9C00  }
0x91: {  	[tilespmem:s18], [sflag:$0x2] =	stream.indirect.gather [hbm4b:s2+s10], $0x80, s15, s10, $0xb8;
	[tilespmem:$0x15000] =	vst v63  }
0x92: {  	s15 =	sadd.s32 $0x2D8, s13  }
0x93: {  	[tilespmem:s20], [sflag:$0x2] =	stream.indirect.gather [hbm4b:s2+s10], $0x80, s15, s10, $0xb8;
	[tilespmem:$0x15000] =	vst v63  }
0x94: {  	s15 =	sadd.s32 $0x310, s13  }
0x95: {  	[tilespmem:s22], [sflag:$0x2] =	stream.indirect.gather [hbm4b:s2+s10], $0x80, s15, s10, $0xb8;
	[tilespmem:$0x15000] =	vst v63  }
0x96: {  	s13 =	sadd.s32 $0x348, s13  }
0x97: {  	[tilespmem:s24], [sflag:$0x2] =	stream.indirect.gather [hbm4b:s2+s10], $0x80, s13, s10, $0xb8;
	[tilespmem:$0x15000] =	vst v63  }
0x98: {  	_ =	swait.ge [sflag:s25], $0x1C00  }
0x99: {  	[sflag:s25] =	ssyncset.done $0x0  }
0x9a: {  	[sflag:s25] =	ssyncadd.s32 $0xFFFFE400  }
0x9b: {  	_ =	swait.ge [sflag:s25], $0x1C00  }
0x9c: {  	[sflag:s25] =	ssyncset.done $0x0  }
0x9d: {  	[sflag:s25] =	ssyncadd.s32 $0xFFFFE400  }
0x9e: {  	_ =	swait.ge [sflag:s25], $0x1C00  }
0x9f: {  	[sflag:s25] =	ssyncset.done $0x0  }
0xa0: {  	[sflag:s25] =	ssyncadd.s32 $0xFFFFE400  }
0xa1: {  	_ =	swait.ge [sflag:s25], $0x1C00  }
0xa2: {  	[sflag:s25] =	ssyncset.done $0x0  }
0xa3: {  	[sflag:s25] =	ssyncadd.s32 $0xFFFFE400  }
0xa4: {  	[hbm4b:s0+s3] =	stream.linear.scatter [tilespmem:s11], [sflag:$0x3], $0x1900, $0x38;
	[tilespmem:$0x15000] =	vst v63  }
0xa5: {  	s13 =	sadd.s32 $0x380, s0  }
0xa6: {  	[hbm4b:s13+s3] =	stream.linear.scatter [tilespmem:s12], [sflag:$0x3], $0x1900, $0x38;
	[tilespmem:$0x15000] =	vst v63  }
0xa7: {  	s13 =	sadd.s32 $0x700, s0  }
0xa8: {  	[hbm4b:s13+s3] =	stream.linear.scatter [tilespmem:s14], [sflag:$0x3], $0x1900, $0x38;
	[tilespmem:$0x15000] =	vst v63  }
0xa9: {  	s13 =	sadd.s32 $0xA80, s0  }
0xaa: {  	[hbm4b:s13+s3] =	stream.linear.scatter [tilespmem:s16], [sflag:$0x3], $0x1900, $0x38;
	[tilespmem:$0x15000] =	vst v63  }
0xab: {  	_ =	swait.ge [sflag:s28], $0x1C00  }
0xac: {  	[sflag:s28] =	ssyncset.done $0x0  }
0xad: {  	[sflag:s28] =	ssyncadd.s32 $0xFFFFE400  }
0xae: {  	_ =	swait.ge [sflag:s28], $0x1C00  }
0xaf: {  	[sflag:s28] =	ssyncset.done $0x0  }
0xb0: {  	[sflag:s28] =	ssyncadd.s32 $0xFFFFE400  }
0xb1: {  	_ =	swait.ge [sflag:s28], $0x1C00  }
0xb2: {  	[sflag:s28] =	ssyncset.done $0x0  }
0xb3: {  	[sflag:s28] =	ssyncadd.s32 $0xFFFFE400  }
0xb4: {  	_ =	swait.ge [sflag:s28], $0x1C00  }
0xb5: {  	[sflag:s28] =	ssyncset.done $0x0  }
0xb6: {  	s13 =	sadd.s32 $0xE00, s0;
	[sflag:s28] =	ssyncadd.s32 $0xFFFFE400  }
0xb7: {  	[hbm4b:s13+s3] =	stream.linear.scatter [tilespmem:s18], [sflag:$0x4], $0x1900, $0x38;
	[tilespmem:$0x15000] =	vst v63  }
.Ltmp0:
0xb8: {  	s13 =	sadd.s32 $0x1180, s0;
	(pc) =	sbr.rel @p0 .LBB2_2-.Ltmp0, $4  }
0xb9: {  	[hbm4b:s13+s3] =	stream.linear.scatter [tilespmem:s20], [sflag:$0x4], $0x1900, $0x38;
	[tilespmem:$0x15000] =	vst v63  }
0xba: {  	s13 =	sadd.s32 $0x1500, s0  }
0xbb: {  	[hbm4b:s13+s3] =	stream.linear.scatter [tilespmem:s22], [sflag:$0x4], $0x1900, $0x38;
	[tilespmem:$0x15000] =	vst v63  }
0xbc: {  	s13 =	sadd.s32 $0x1880, s0;
	s0 =	sadd.s32 $0x1C00, s0  }
0xbd: {  	[hbm4b:s13+s3] =	stream.linear.scatter [tilespmem:s24], [sflag:$0x4], $0x1900, $0x38;
	[tilespmem:$0x15000] =	vst v63  }
0xbe: {  	s31 =	sadd.s32 $0x1, s31  }
0xbf: {  	_ =	swait.ge [sflag:s29], $0x6400;
	p0 =	sne.s32 s31, s7  }
.Ltmp1:
0xc0: {  	[sflag:s29] =	ssyncset.done $0x0;
	(pc) =	sbr.rel @p0 .LBB2_1-.Ltmp1, $4  }
0xc1: {  	[sflag:s29] =	ssyncadd.s32 $0xFFFF9C00  }
0xc2: {  	_ =	swait.ge [sflag:s30], $0x6400  }
0xc3: {  	[sflag:s30] =	ssyncset.done $0x0  }
0xc4: {  	[sflag:s30] =	ssyncadd.s32 $0xFFFF9C00  }
0xc5: {  	_ =	sfence.sel $0x180000  }
0xc6: {  	[bflag:$0x0] =	sbarrier.arrive $0xFFFF  }
0xc7: {  	_ =	strace $0x90000047  }
0xc8: {  	s0 =	stileid.u32;
	[bflag:$0x2] =	sbarrier.arrive $0xFFFF  }
0xc9: {  	p0 =	sne.s32 s0, $0x0;
	s0 =	rddreg [dreg:$0x3]  }
0xca: {  	s0 =	sadd.s32 @!p0 $0x100000, s0  }
0xcb: {  	[sflag:s0] =	ssyncadd.tile.s32 @!p0 $0x1;
	_ =	shalt  }
.Lfunc_end2:
_tile_overlayer_lowered:
.L_overlay_start_2:
0xcc: {  	(tag) =	ssettag $0x2  }
0xcd: {  	s0 =	rddreg [dreg:$0x0];
	s2 =	stileid.u32  }
0xce: {  	s1 =	rddreg [dreg:$0x1];
	p0 =	sne.s32 s2, $0x0  }
0xcf: {  	s3 =	rddreg [dreg:$0x2];
	[bflag:$0x3] =	sbarrier.arrive $0xFFFF;
	s2 =	simm.s32 @!p0 $0x1C05  }
0xd0: {  	[timem:s3], [sflag:s2] =	dma.local @!p0 [hbm:s0], s1  }
0xd1: {  	s0 =	simm.s32 @!p0 $0x5  }
0xd2: {  	_ =	swait.ge @!p0 [sflag:s0], s1  }
0xd3: {  	s1 =	ssub.s32 @!p0 $0x0, s1;
	[sflag:s0] =	ssyncset.done @!p0 $0x0  }
0xd4: {  	[sflag:s0] =	ssyncadd.s32 @!p0 s1  }
0xd5: {  	[bflag:$0x3] =	sbarrier.arrive $0xFFFF  }
0xd6: {  	_ =	shalt  }

</sc_bundles>
